<compile_context>
chip_gen: v7x
topology: tpu7x:2x2x1
jax: 0.10.2.dev20260603
libtpu: 0.0.44.dev20260713+nightly
codegen_flags: <defaults>
</compile_context>

<pallas_src>
import functools

import jax
import jax.numpy as jnp
from jax import lax
from jax.experimental import pallas as pl
from jax.experimental.pallas import tpu as pltpu
from jax.experimental.pallas import tpu_sc as plsc

F32 = jnp.float32
I32 = jnp.int32

N_NODES = 10000
HALF = 5000
D = 256
FH = 128
OUT_D = 128
E = 160000

NC = 2
NS = 16
CHUNK = 128
CPS = 80
BLK = 8
NBLK = CPS // BLK
EDGES_PER_TILE = CHUNK * CPS
E_PAD = NS * EDGES_PER_TILE
SLAB = 10240
DUMP = N_NODES
ZPT = SLAB // NS

DCHUNK = 128
DCPS = 80
DEG_SLAB = 5120
DEG_DUMP = DEG_SLAB - 1
DEG_ZPT = DEG_SLAB // NS


@functools.lru_cache(maxsize=None)
def _sc_mesh():
    return plsc.VectorSubcoreMesh(core_axis_name="c", subcore_axis_name="s",
                                  num_cores=NC, num_subcores=NS)



def _deg_body(dst_hbm, out_hbm, idx_v, ones_v, zeros_v, deg_sh, sem):
    c = lax.axis_index("c")
    s = lax.axis_index("s")

    def fill(i, _):
        ones_v[i] = jnp.ones((16,), F32)
        return _
    lax.fori_loop(0, DCHUNK, fill, None)

    def fillz(i, _):
        zeros_v[i] = jnp.zeros((16,), F32)
        return _
    lax.fori_loop(0, DEG_ZPT, fillz, None)

    pltpu.sync_copy(zeros_v, deg_sh.at[pl.ds(s * DEG_ZPT, DEG_ZPT)])
    plsc.subcore_barrier()

    pltpu.sync_copy(dst_hbm.at[s], idx_v)

    base = c * HALF

    def body_j(j, _):
        def body_k(k, _):
            v = idx_v[j, pl.ds(k * 16, 16)]
            rel = v - base
            ok = (rel >= 0) & (rel < HALF)
            idx_v[j, pl.ds(k * 16, 16)] = jnp.where(ok, rel, DEG_DUMP)
            return _
        return lax.fori_loop(0, DCHUNK // 16, body_k, _)
    lax.fori_loop(0, DCPS, body_j, None)

    def step(j, _):
        pltpu.async_copy(ones_v, deg_sh.at[idx_v.at[j]], sem, add=True)
        return _
    lax.fori_loop(0, DCPS, step, None)

    def dstep(j, _):
        pltpu.make_async_copy(ones_v, deg_sh.at[idx_v.at[0]], sem).wait()
        return _
    lax.fori_loop(0, DCPS, dstep, None)

    plsc.subcore_barrier()
    pltpu.sync_copy(deg_sh.at[pl.ds(s * DEG_ZPT, DEG_ZPT)],
                    out_hbm.at[c, pl.ds(s * DEG_ZPT, DEG_ZPT)])

@functools.lru_cache(maxsize=None)
def _deg_kernel_built():
    return pl.kernel(
        _deg_body,
        out_type=jax.ShapeDtypeStruct((NC, DEG_SLAB, 16), F32),
        mesh=_sc_mesh(),
        scratch_types=[
            pltpu.VMEM((DCPS, DCHUNK), I32),
            pltpu.VMEM((DCHUNK, 16), F32),
            pltpu.VMEM((DEG_ZPT, 16), F32),
            pltpu.VMEM_SHARED((DEG_SLAB, 16), F32),
            pltpu.SemaphoreType.DMA,
        ],
    )



def _edge_body(g_hbm, src_hbm, dst_hbm, out_hbm,
               src_v, dst_v, rows_v, s_sh, sg):
    c = lax.axis_index("c")
    s = lax.axis_index("s")

    def fz(i, _):
        def fk(k, _):
            rows_v[i, pl.ds(k * 16, 16)] = jnp.zeros((16,), F32)
            return _
        return lax.fori_loop(0, FH // 16, fk, _)
    lax.fori_loop(0, CHUNK, fz, None)

    def zs(q, _):
        pltpu.sync_copy(rows_v,
                        s_sh.at[pl.ds(s * ZPT + q * CHUNK, CHUNK)])
        return _
    lax.fori_loop(0, ZPT // CHUNK, zs, None)

    pltpu.sync_copy(src_hbm.at[s], src_v)
    pltpu.sync_copy(dst_hbm.at[s], dst_v)
    plsc.subcore_barrier()

    def step(j, _):
        pltpu.async_copy(g_hbm.at[c].at[src_v.at[j]], rows_v, sg).wait()
        pltpu.sync_copy(rows_v, s_sh.at[dst_v.at[j]], add=True)
        return _
    lax.fori_loop(0, CPS, step, None)

    plsc.subcore_barrier()
    pltpu.sync_copy(s_sh.at[pl.ds(s * ZPT, ZPT)],
                    out_hbm.at[c, pl.ds(s * ZPT, ZPT)])


@functools.lru_cache(maxsize=None)
def _edge_kernel_built():
    return pl.kernel(
        _edge_body,
        out_type=jax.ShapeDtypeStruct((NC, SLAB, FH), F32),
        mesh=_sc_mesh(),
        scratch_types=[
            pltpu.VMEM((CPS, CHUNK), I32),
            pltpu.VMEM((CPS, CHUNK), I32),
            pltpu.VMEM((CHUNK, FH), F32),
            pltpu.VMEM_SHARED((SLAB, FH), F32),
            pltpu.SemaphoreType.DMA,
        ],
    )



def _dinv_body(deg_ref, o_ref):
    o_ref[...] = lax.rsqrt(deg_ref[0][:, :1] + 1.0)


def _dinv_call(deg):
    grid = N_NODES // _RB
    return pl.pallas_call(
        _dinv_body,
        grid=(grid,),
        in_specs=[
            pl.BlockSpec((1, _RB, 16),
                         lambda i: (i // (grid // 2), i % (grid // 2), 0)),
        ],
        out_specs=pl.BlockSpec((_RB, 1), lambda i: (i, 0)),
        out_shape=jax.ShapeDtypeStruct((N_NODES, 1), F32),
    )(deg)


def _proj_body(x_ref, ws_ref, bs_ref, w1_ref, dinv_ref, o_ref):
    x = x_ref[...]
    h = jnp.dot(x, ws_ref[0], preferred_element_type=F32) + bs_ref[0]
    h = jnp.maximum(h, 0.0)
    dinv = dinv_ref[...]
    g = jnp.dot(h, w1_ref[...], preferred_element_type=F32) * dinv
    o_ref[0] = g[:, :FH]
    o_ref[1] = g[:, FH:]


def _mid_body(s_ref, g_ref, dinv_ref, b_ref, w_ref, o_ref):
    dinv = dinv_ref[...]
    s_mat = jnp.concatenate([s_ref[0], s_ref[1]], axis=1)
    g_mat = jnp.concatenate([g_ref[0], g_ref[1]], axis=1)
    x = jnp.maximum(dinv * (s_mat + g_mat) + b_ref[...], 0.0)
    g = jnp.dot(x, w_ref[...], preferred_element_type=F32) * dinv
    o_ref[0] = g[:, :FH]
    o_ref[1] = g[:, FH:]


def _fin_body(s_ref, g_ref, dinv_ref, b_ref, w_ref, bo_ref, o_ref):
    dinv = dinv_ref[...]
    s_mat = jnp.concatenate([s_ref[0], s_ref[1]], axis=1)
    g_mat = jnp.concatenate([g_ref[0], g_ref[1]], axis=1)
    x = jnp.maximum(dinv * (s_mat + g_mat) + b_ref[...], 0.0)
    o_ref[...] = jnp.dot(x, w_ref[...], preferred_element_type=F32) + bo_ref[...]


_RB = 1000


def _proj_call(x_cat, w_s, b_s, w1, deg):
    grid = N_NODES // _RB
    return pl.pallas_call(
        _proj_body,
        grid=(grid,),
        in_specs=[
            pl.BlockSpec((_RB, D), lambda i: (i, 0)),
            pl.BlockSpec((1, D, D), lambda i: (i // (grid // 2), 0, 0)),
            pl.BlockSpec((1, 1, D), lambda i: (i // (grid // 2), 0, 0)),
            pl.BlockSpec((D, D), lambda i: (0, 0)),
            pl.BlockSpec((_RB, 1), lambda i: (i, 0)),
        ],
        out_specs=pl.BlockSpec((NC, _RB, FH), lambda i: (0, i, 0)),
        out_shape=jax.ShapeDtypeStruct((NC, N_NODES, FH), F32),
    )(x_cat, w_s, b_s, w1, deg)


def _mid_call(slabs, g, deg, b, w):
    grid = N_NODES // _RB
    return pl.pallas_call(
        _mid_body,
        grid=(grid,),
        in_specs=[
            pl.BlockSpec((NC, _RB, FH), lambda i: (0, i, 0)),
            pl.BlockSpec((NC, _RB, FH), lambda i: (0, i, 0)),
            pl.BlockSpec((_RB, 1), lambda i: (i, 0)),
            pl.BlockSpec((1, D), lambda i: (0, 0)),
            pl.BlockSpec((D, D), lambda i: (0, 0)),
        ],
        out_specs=pl.BlockSpec((NC, _RB, FH), lambda i: (0, i, 0)),
        out_shape=jax.ShapeDtypeStruct((NC, N_NODES, FH), F32),
    )(slabs, g, deg, b, w)


def _fin_call(slabs, g, deg, b, w, bo):
    grid = HALF // _RB
    return pl.pallas_call(
        _fin_body,
        grid=(grid,),
        in_specs=[
            pl.BlockSpec((NC, _RB, FH), lambda i: (0, i, 0)),
            pl.BlockSpec((NC, _RB, FH), lambda i: (0, i, 0)),
            pl.BlockSpec((_RB, 1), lambda i: (i, 0)),
            pl.BlockSpec((1, D), lambda i: (0, 0)),
            pl.BlockSpec((D, OUT_D), lambda i: (0, 0)),
            pl.BlockSpec((1, OUT_D), lambda i: (0, 0)),
        ],
        out_specs=pl.BlockSpec((_RB, OUT_D), lambda i: (i, 0)),
        out_shape=jax.ShapeDtypeStruct((HALF, OUT_D), F32),
    )(slabs, g, deg, b, w, bo)


def kernel(x_u, x_p, edge_index, W_u, b_u, W_p, b_p, W1, b1, W2, b2, W_out, b_out):
    src = edge_index[0]
    dst = edge_index[1]
    pad = E_PAD - E
    src_p = jnp.concatenate([src, jnp.zeros((pad,), I32)])
    dst_p = jnp.concatenate([dst, jnp.full((pad,), jnp.int32(DUMP))])
    src_r = src_p.reshape(NS, CPS, CHUNK)
    dst_r = dst_p.reshape(NS, CPS, CHUNK)
    dst_d = dst_p.reshape(NS, DCPS, DCHUNK)

    deg = _dinv_call(_deg_kernel_built()(dst_d))

    x_cat = jnp.concatenate([x_u, x_p], axis=0)
    w_s = jnp.stack([W_u, W_p])
    b_s = jnp.stack([b_u, b_p])[:, None, :]

    g1 = _proj_call(x_cat, w_s, b_s, W1, deg)
    s1 = _edge_kernel_built()(g1, src_r, dst_r)
    g2 = _mid_call(s1, g1, deg, b1[None, :], W2)
    s2 = _edge_kernel_built()(g2, src_r, dst_r)
    return _fin_call(s2, g2, deg, b2[None, :], W_out, b_out[None, :])

# --- scband reference (transcript-rebuilt; emitter-appended) ---
"""Pipeline reference for scband-bipartite-gnn-5746666242049 (READ-ONLY COPY).

The authoritative reference and input builder live on the scoring server;
editing this copy changes nothing except your own understanding.
"""

import jax, jax.numpy as jnp
import numpy as np

N_U = 5000
N_P = 5000
D_U = 256
D_P = 256
H = 256
OUT = 128
E = 160000


def _glorot(k, shape):
    fan = (2.0 / (shape[0] + shape[1])) ** 0.5
    return jax.random.normal(k, shape, dtype=jnp.float32) * fan


def setup_inputs(seed: int = 0) -> dict:
    key = jax.random.key(seed)
    ks = jax.random.split(key, 10)
    inp = {}
    inp["x_u"] = jax.random.normal(ks[0], (N_U, D_U), dtype=jnp.float32)
    inp["x_p"] = jax.random.normal(ks[1], (N_P, D_P), dtype=jnp.float32)
    inp["edge_index"] = jax.random.randint(ks[2], (2, E), 0, N_U + N_P, dtype=jnp.int32)
    # learned parameters
    inp["W_u"] = _glorot(ks[3], (D_U, H))
    inp["b_u"] = jnp.zeros((H,), dtype=jnp.float32)
    inp["W_p"] = _glorot(ks[4], (D_P, H))
    inp["b_p"] = jnp.zeros((H,), dtype=jnp.float32)
    inp["W1"] = _glorot(ks[5], (H, H))
    inp["b1"] = jnp.zeros((H,), dtype=jnp.float32)
    inp["W2"] = _glorot(ks[6], (H, H))
    inp["b2"] = jnp.zeros((H,), dtype=jnp.float32)
    inp["W_out"] = _glorot(ks[7], (H, OUT))
    inp["b_out"] = jnp.zeros((OUT,), dtype=jnp.float32)
    return inp


def _gcn_conv(x, edge_index, W, b):
    # PyG GCNConv: add self-loops, symmetric normalization, x @ W then aggregate, then + bias
    N = x.shape[0]
    loop = jnp.arange(N, dtype=edge_index.dtype)
    src = jnp.concatenate([edge_index[0], loop])
    dst = jnp.concatenate([edge_index[1], loop])
    h = x @ W
    deg = jnp.zeros((N,), dtype=x.dtype).at[dst].add(1.0)
    dinv = jnp.where(deg > 0, jax.lax.rsqrt(deg), 0.0)
    norm = dinv[src] * dinv[dst]
    msg = h[src] * norm[:, None]
    agg = jnp.zeros_like(h).at[dst].add(msg)
    return agg + b


def reference(x_u, x_p, edge_index, W_u, b_u, W_p, b_p, W1, b1, W2, b2, W_out, b_out):
    x = jnp.concatenate([jax.nn.relu(x_u @ W_u + b_u), jax.nn.relu(x_p @ W_p + b_p)], axis=0)
    x = jax.nn.relu(_gcn_conv(x, edge_index, W1, b1))
    # dropout is identity in eval mode
    x = jax.nn.relu(_gcn_conv(x, edge_index, W2, b2))
    return x[: x_u.shape[0]] @ W_out + b_out

if __name__ == "__main__":
    import jax
    _d = setup_inputs()
    print(jax.jit(kernel)(*tuple(_d.values())))

</pallas_src>

<mosaic_0001>
#map = affine_map<(d0, d1) -> (0, 0, 0)>
module attributes {stable_mosaic.version = 14 : i64} {
  func.func @_edge_body(%arg0: i32, %arg1: i32, %arg2: memref<2x10000x128xf32, #tpu.memory_space<hbm>>, %arg3: memref<16x80x128xi32, #tpu.memory_space<hbm>>, %arg4: memref<16x80x128xi32, #tpu.memory_space<hbm>>, %arg5: memref<2x10240x128xf32, #tpu.memory_space<hbm>>, %arg6: memref<80x128xi32, #tpu.memory_space<vmem>>, %arg7: memref<80x128xi32, #tpu.memory_space<vmem>>, %arg8: memref<128x128xf32, #tpu.memory_space<vmem>>, %arg9: memref<10240x128xf32, #tpu.memory_space<vmem_shared>>, %arg10: memref<!tpu.dma_semaphore, #tpu.memory_space<semaphore_mem>>) attributes {dimension_semantics = [#tpu.dimension_semantics<core_parallel>, #tpu.dimension_semantics<subcore_parallel>], iteration_bounds = array<i64: 2, 16>, scalar_prefetch = 0 : i64, scratch_operands = 5 : i64, tpu.core_type = #tpu.core_type<sc_vector_subcore>, window_params = [{transform_indices = #map}, {transform_indices = #map}, {transform_indices = #map}, {transform_indices = #map}]} {
    %scan3A = arith.constant 0 : i32
    %scan3A_0 = arith.constant 128 : i32
    %scan3A_1 = arith.addi %scan3A, %scan3A_0 : i32
    %scan3A_2 = arith.constant 1 : i32
    scf.for %scan3A_18 = %scan3A to %scan3A_1 step %scan3A_2  : i32 {
      %scan3A_19 = arith.constant 0 : i32
      %scan3A_20 = arith.constant 8 : i32
      %scan3A_21 = arith.addi %scan3A_19, %scan3A_20 : i32
      %scan3A_22 = arith.constant 1 : i32
      scf.for %scan3A_24 = %scan3A_19 to %scan3A_21 step %scan3A_22  : i32 {
        %broadcast_in_dim3A = arith.constant 0.000000e+00 : f32
        %broadcast_in_dim3A_25 = vector.broadcast %broadcast_in_dim3A : f32 to vector<16xf32>
        %mul3A_26 = arith.constant 16 : i32
        %mul3A_27 = arith.muli %scan3A_24, %mul3A_26 : i32
        %swap3A = arith.index_cast %scan3A_18 : i32 to index
        %swap3A_28 = arith.index_cast %mul3A_27 : i32 to index
        %swap3A_29 = tpu.vector_load %arg8[%swap3A, %swap3A_28] {strides = array<i32>} : memref<128x128xf32, #tpu.memory_space<vmem>>, vector<1x16xf32>,
        %swap3A_30 = vector.shape_cast %swap3A_29 : vector<1x16xf32> to vector<16xf32>
        %swap3A_31 = vector.shape_cast %broadcast_in_dim3A_25 : vector<16xf32> to vector<1x16xf32>
        tpu.vector_store %arg8[%swap3A, %swap3A_28], %swap3A_31 {strides = array<i32>} : memref<128x128xf32, #tpu.memory_space<vmem>>, vector<1x16xf32>,
      }
      %scan3A_23 = arith.constant 8 : i32
    }
    %scan3A_3 = arith.constant 128 : i32
    %scan3A_4 = arith.constant 0 : i32
    %scan3A_5 = arith.constant 5 : i32
    %scan3A_6 = arith.addi %scan3A_4, %scan3A_5 : i32
    %scan3A_7 = arith.constant 1 : i32
    scf.for %scan3A_18 = %scan3A_4 to %scan3A_6 step %scan3A_7  : i32 {
      %mul3A_19 = arith.constant 640 : i32
      %mul3A_20 = arith.muli %arg1, %mul3A_19 : i32
      %mul3A_21 = arith.constant 128 : i32
      %mul3A_22 = arith.muli %scan3A_18, %mul3A_21 : i32
      %add3A = arith.addi %mul3A_20, %mul3A_22 : i32
      "tpu.region"() ({
        %run_scoped3A = tpu.sem_alloc : memref<!tpu.dma_semaphore, #tpu.memory_space<semaphore_mem>>
        %dma_start3A = arith.constant 0 : i32
        %dma_start3A_23 = tpu.memref_slice %arg9[%add3A, %dma_start3A] : memref<10240x128xf32, #tpu.memory_space<vmem_shared>> -> memref<128x128xf32, #tpu.memory_space<vmem_shared>>
        %dma_start3A_24 = arith.constant 0 : i32
        %dma_start3A_25 = tpu.memref_slice %arg9[%add3A, %dma_start3A_24] : memref<10240x128xf32, #tpu.memory_space<vmem_shared>> -> memref<128x128xf32, #tpu.memory_space<vmem_shared>>
        tpu.enqueue_dma source(%arg8 : memref<128x128xf32, #tpu.memory_space<vmem>>) target(%dma_start3A_25 : memref<128x128xf32, #tpu.memory_space<vmem_shared>>) target_semaphore(%run_scoped3A : memref<!tpu.dma_semaphore, #tpu.memory_space<semaphore_mem>>)
        %dma_wait3A = arith.constant 0 : i32
        %dma_wait3A_26 = tpu.memref_slice %arg9[%add3A, %dma_wait3A] : memref<10240x128xf32, #tpu.memory_space<vmem_shared>> -> memref<128x128xf32, #tpu.memory_space<vmem_shared>>
        %dma_wait3A_27 = arith.constant 0 : i32
        %dma_wait3A_28 = tpu.memref_slice %arg9[%add3A, %dma_wait3A_27] : memref<10240x128xf32, #tpu.memory_space<vmem_shared>> -> memref<128x128xf32, #tpu.memory_space<vmem_shared>>
        tpu.wait_dma2 semaphore(%run_scoped3A : memref<!tpu.dma_semaphore, #tpu.memory_space<semaphore_mem>>) src(%arg8 : memref<128x128xf32, #tpu.memory_space<vmem>>) dst(%dma_wait3A_28 : memref<128x128xf32, #tpu.memory_space<vmem_shared>>)
        tpu.yield
      }) : () -> ()
    }
    %scan3A_8 = arith.constant 5 : i32
    "tpu.region"() ({
      %run_scoped3A = tpu.sem_alloc : memref<!tpu.dma_semaphore, #tpu.memory_space<semaphore_mem>>
      %dma_start3A = arith.constant 0 : i32
      %dma_start3A_18 = arith.constant 0 : i32
      %dma_start3A_19 = tpu.memref_slice %arg3[%arg1, %dma_start3A, %dma_start3A_18] : memref<16x80x128xi32, #tpu.memory_space<hbm>> -> memref<1x80x128xi32, #tpu.memory_space<hbm>>
      %dma_start3A_20 = tpu.memref_squeeze %dma_start3A_19 : memref<1x80x128xi32, #tpu.memory_space<hbm>> -> memref<80x128xi32, #tpu.memory_space<hbm>>
      %dma_start3A_21 = arith.constant 0 : i32
      %dma_start3A_22 = arith.constant 0 : i32
      %dma_start3A_23 = tpu.memref_slice %arg3[%arg1, %dma_start3A_21, %dma_start3A_22] : memref<16x80x128xi32, #tpu.memory_space<hbm>> -> memref<1x80x128xi32, #tpu.memory_space<hbm>>
      %dma_start3A_24 = tpu.memref_squeeze %dma_start3A_23 : memref<1x80x128xi32, #tpu.memory_space<hbm>> -> memref<80x128xi32, #tpu.memory_space<hbm>>
      tpu.enqueue_dma source(%dma_start3A_24 : memref<80x128xi32, #tpu.memory_space<hbm>>) target(%arg6 : memref<80x128xi32, #tpu.memory_space<vmem>>) target_semaphore(%run_scoped3A : memref<!tpu.dma_semaphore, #tpu.memory_space<semaphore_mem>>)
      %dma_wait3A = arith.constant 0 : i32
      %dma_wait3A_25 = arith.constant 0 : i32
      %dma_wait3A_26 = tpu.memref_slice %arg3[%arg1, %dma_wait3A, %dma_wait3A_25] : memref<16x80x128xi32, #tpu.memory_space<hbm>> -> memref<1x80x128xi32, #tpu.memory_space<hbm>>
      %dma_wait3A_27 = tpu.memref_squeeze %dma_wait3A_26 : memref<1x80x128xi32, #tpu.memory_space<hbm>> -> memref<80x128xi32, #tpu.memory_space<hbm>>
      %dma_wait3A_28 = arith.constant 0 : i32
      %dma_wait3A_29 = arith.constant 0 : i32
      %dma_wait3A_30 = tpu.memref_slice %arg3[%arg1, %dma_wait3A_28, %dma_wait3A_29] : memref<16x80x128xi32, #tpu.memory_space<hbm>> -> memref<1x80x128xi32, #tpu.memory_space<hbm>>
      %dma_wait3A_31 = tpu.memref_squeeze %dma_wait3A_30 : memref<1x80x128xi32, #tpu.memory_space<hbm>> -> memref<80x128xi32, #tpu.memory_space<hbm>>
      tpu.wait_dma2 semaphore(%run_scoped3A : memref<!tpu.dma_semaphore, #tpu.memory_space<semaphore_mem>>) src(%dma_wait3A_31 : memref<80x128xi32, #tpu.memory_space<hbm>>) dst(%arg6 : memref<80x128xi32, #tpu.memory_space<vmem>>)
      tpu.yield
    }) : () -> ()
    "tpu.region"() ({
      %run_scoped3A = tpu.sem_alloc : memref<!tpu.dma_semaphore, #tpu.memory_space<semaphore_mem>>
      %dma_start3A = arith.constant 0 : i32
      %dma_start3A_18 = arith.constant 0 : i32
      %dma_start3A_19 = tpu.memref_slice %arg4[%arg1, %dma_start3A, %dma_start3A_18] : memref<16x80x128xi32, #tpu.memory_space<hbm>> -> memref<1x80x128xi32, #tpu.memory_space<hbm>>
      %dma_start3A_20 = tpu.memref_squeeze %dma_start3A_19 : memref<1x80x128xi32, #tpu.memory_space<hbm>> -> memref<80x128xi32, #tpu.memory_space<hbm>>
      %dma_start3A_21 = arith.constant 0 : i32
      %dma_start3A_22 = arith.constant 0 : i32
      %dma_start3A_23 = tpu.memref_slice %arg4[%arg1, %dma_start3A_21, %dma_start3A_22] : memref<16x80x128xi32, #tpu.memory_space<hbm>> -> memref<1x80x128xi32, #tpu.memory_space<hbm>>
      %dma_start3A_24 = tpu.memref_squeeze %dma_start3A_23 : memref<1x80x128xi32, #tpu.memory_space<hbm>> -> memref<80x128xi32, #tpu.memory_space<hbm>>
      tpu.enqueue_dma source(%dma_start3A_24 : memref<80x128xi32, #tpu.memory_space<hbm>>) target(%arg7 : memref<80x128xi32, #tpu.memory_space<vmem>>) target_semaphore(%run_scoped3A : memref<!tpu.dma_semaphore, #tpu.memory_space<semaphore_mem>>)
      %dma_wait3A = arith.constant 0 : i32
      %dma_wait3A_25 = arith.constant 0 : i32
      %dma_wait3A_26 = tpu.memref_slice %arg4[%arg1, %dma_wait3A, %dma_wait3A_25] : memref<16x80x128xi32, #tpu.memory_space<hbm>> -> memref<1x80x128xi32, #tpu.memory_space<hbm>>
      %dma_wait3A_27 = tpu.memref_squeeze %dma_wait3A_26 : memref<1x80x128xi32, #tpu.memory_space<hbm>> -> memref<80x128xi32, #tpu.memory_space<hbm>>
      %dma_wait3A_28 = arith.constant 0 : i32
      %dma_wait3A_29 = arith.constant 0 : i32
      %dma_wait3A_30 = tpu.memref_slice %arg4[%arg1, %dma_wait3A_28, %dma_wait3A_29] : memref<16x80x128xi32, #tpu.memory_space<hbm>> -> memref<1x80x128xi32, #tpu.memory_space<hbm>>
      %dma_wait3A_31 = tpu.memref_squeeze %dma_wait3A_30 : memref<1x80x128xi32, #tpu.memory_space<hbm>> -> memref<80x128xi32, #tpu.memory_space<hbm>>
      tpu.wait_dma2 semaphore(%run_scoped3A : memref<!tpu.dma_semaphore, #tpu.memory_space<semaphore_mem>>) src(%dma_wait3A_31 : memref<80x128xi32, #tpu.memory_space<hbm>>) dst(%arg7 : memref<80x128xi32, #tpu.memory_space<vmem>>)
      tpu.yield
    }) : () -> ()
    %barrier3A = arith.constant 0 : index
    tpu.barrier barrier_id(%barrier3A)
    %scan3A_9 = arith.constant 0 : i32
    %scan3A_10 = arith.constant 80 : i32
    %scan3A_11 = arith.addi %scan3A_9, %scan3A_10 : i32
    %scan3A_12 = arith.constant 1 : i32
    scf.for %scan3A_18 = %scan3A_9 to %scan3A_11 step %scan3A_12  : i32 {
      %dma_start3A = arith.constant 0 : i32
      %dma_start3A_19 = tpu.memref_slice %arg6[%scan3A_18, %dma_start3A] : memref<80x128xi32, #tpu.memory_space<vmem>> -> memref<1x128xi32, #tpu.memory_space<vmem>>
      %dma_start3A_20 = tpu.memref_squeeze %dma_start3A_19 : memref<1x128xi32, #tpu.memory_space<vmem>> -> memref<128xi32, #tpu.memory_space<vmem>>
      %dma_start3A_21 = arith.constant 0 : i32
      %dma_start3A_22 = arith.constant 0 : i32
      %dma_start3A_23 = tpu.memref_slice %arg2[%arg0, %dma_start3A_21, %dma_start3A_22] : memref<2x10000x128xf32, #tpu.memory_space<hbm>> -> memref<1x10000x128xf32, #tpu.memory_space<hbm>>
      %dma_start3A_24 = tpu.memref_squeeze %dma_start3A_23 : memref<1x10000x128xf32, #tpu.memory_space<hbm>> -> memref<10000x128xf32, #tpu.memory_space<hbm>>
      %dma_start3A_25 = arith.constant 0 : i32
      %dma_start3A_26 = arith.constant 0 : i32
      %dma_start3A_27 = tpu.memref_slice %dma_start3A_24[%dma_start3A_25, %dma_start3A_26] : memref<10000x128xf32, #tpu.memory_space<hbm>> -> memref<10000x128xf32, #tpu.memory_space<hbm>>
      tpu.enqueue_indirect_dma source(%dma_start3A_27 : memref<10000x128xf32, #tpu.memory_space<hbm>>) target(%arg8 : memref<128x128xf32, #tpu.memory_space<vmem>>) offsets(%dma_start3A_20 : memref<128xi32, #tpu.memory_space<vmem>>) semaphore(%arg10 : memref<!tpu.dma_semaphore, #tpu.memory_space<semaphore_mem>>)
      %dma_wait3A = arith.constant 0 : i32
      %dma_wait3A_28 = tpu.memref_slice %arg6[%scan3A_18, %dma_wait3A] : memref<80x128xi32, #tpu.memory_space<vmem>> -> memref<1x128xi32, #tpu.memory_space<vmem>>
      %dma_wait3A_29 = tpu.memref_squeeze %dma_wait3A_28 : memref<1x128xi32, #tpu.memory_space<vmem>> -> memref<128xi32, #tpu.memory_space<vmem>>
      %dma_wait3A_30 = arith.constant 0 : i32
      %dma_wait3A_31 = arith.constant 0 : i32
      %dma_wait3A_32 = tpu.memref_slice %arg2[%arg0, %dma_wait3A_30, %dma_wait3A_31] : memref<2x10000x128xf32, #tpu.memory_space<hbm>> -> memref<1x10000x128xf32, #tpu.memory_space<hbm>>
      %dma_wait3A_33 = tpu.memref_squeeze %dma_wait3A_32 : memref<1x10000x128xf32, #tpu.memory_space<hbm>> -> memref<10000x128xf32, #tpu.memory_space<hbm>>
      %dma_wait3A_34 = arith.constant 0 : i32
      %dma_wait3A_35 = arith.constant 0 : i32
      %dma_wait3A_36 = tpu.memref_slice %dma_wait3A_33[%dma_wait3A_34, %dma_wait3A_35] : memref<10000x128xf32, #tpu.memory_space<hbm>> -> memref<10000x128xf32, #tpu.memory_space<hbm>>
      tpu.wait_indirect_dma semaphore(%arg10 : memref<!tpu.dma_semaphore, #tpu.memory_space<semaphore_mem>>) src(%dma_wait3A_36 : memref<10000x128xf32, #tpu.memory_space<hbm>>) dst(%arg8 : memref<128x128xf32, #tpu.memory_space<vmem>>)
      "tpu.region"() ({
        %run_scoped3A = tpu.sem_alloc : memref<!tpu.dma_semaphore, #tpu.memory_space<semaphore_mem>>
        %dma_start3A_37 = arith.constant 0 : i32
        %dma_start3A_38 = tpu.memref_slice %arg7[%scan3A_18, %dma_start3A_37] : memref<80x128xi32, #tpu.memory_space<vmem>> -> memref<1x128xi32, #tpu.memory_space<vmem>>
        %dma_start3A_39 = tpu.memref_squeeze %dma_start3A_38 : memref<1x128xi32, #tpu.memory_space<vmem>> -> memref<128xi32, #tpu.memory_space<vmem>>
        %dma_start3A_40 = arith.constant 0 : i32
        %dma_start3A_41 = arith.constant 0 : i32
        %dma_start3A_42 = tpu.memref_slice %arg9[%dma_start3A_40, %dma_start3A_41] : memref<10240x128xf32, #tpu.memory_space<vmem_shared>> -> memref<10240x128xf32, #tpu.memory_space<vmem_shared>>
        tpu.enqueue_indirect_dma source(%arg8 : memref<128x128xf32, #tpu.memory_space<vmem>>) target(%dma_start3A_42 : memref<10240x128xf32, #tpu.memory_space<vmem_shared>>) offsets(%dma_start3A_39 : memref<128xi32, #tpu.memory_space<vmem>>) semaphore(%run_scoped3A : memref<!tpu.dma_semaphore, #tpu.memory_space<semaphore_mem>>) {add = true}
        %dma_wait3A_43 = arith.constant 0 : i32
        %dma_wait3A_44 = tpu.memref_slice %arg7[%scan3A_18, %dma_wait3A_43] : memref<80x128xi32, #tpu.memory_space<vmem>> -> memref<1x128xi32, #tpu.memory_space<vmem>>
        %dma_wait3A_45 = tpu.memref_squeeze %dma_wait3A_44 : memref<1x128xi32, #tpu.memory_space<vmem>> -> memref<128xi32, #tpu.memory_space<vmem>>
        %dma_wait3A_46 = arith.constant 0 : i32
        %dma_wait3A_47 = arith.constant 0 : i32
        %dma_wait3A_48 = tpu.memref_slice %arg9[%dma_wait3A_46, %dma_wait3A_47] : memref<10240x128xf32, #tpu.memory_space<vmem_shared>> -> memref<10240x128xf32, #tpu.memory_space<vmem_shared>>
        tpu.wait_indirect_dma semaphore(%run_scoped3A : memref<!tpu.dma_semaphore, #tpu.memory_space<semaphore_mem>>) src(%arg8 : memref<128x128xf32, #tpu.memory_space<vmem>>) dst(%dma_wait3A_48 : memref<10240x128xf32, #tpu.memory_space<vmem_shared>>)
        tpu.yield
      }) : () -> ()
    }
    %scan3A_13 = arith.constant 80 : i32
    %barrier3A_14 = arith.constant 0 : index
    tpu.barrier barrier_id(%barrier3A_14)
    %mul3A = arith.constant 640 : i32
    %mul3A_15 = arith.muli %arg1, %mul3A : i32
    %mul3A_16 = arith.constant 640 : i32
    %mul3A_17 = arith.muli %arg1, %mul3A_16 : i32
    "tpu.region"() ({
      %run_scoped3A = tpu.sem_alloc : memref<!tpu.dma_semaphore, #tpu.memory_space<semaphore_mem>>
      %dma_start3A = arith.constant 0 : i32
      %dma_start3A_18 = tpu.memref_slice %arg5[%arg0, %mul3A_17, %dma_start3A] : memref<2x10240x128xf32, #tpu.memory_space<hbm>> -> memref<1x640x128xf32, #tpu.memory_space<hbm>>
      %dma_start3A_19 = tpu.memref_squeeze %dma_start3A_18 : memref<1x640x128xf32, #tpu.memory_space<hbm>> -> memref<640x128xf32, #tpu.memory_space<hbm>>
      %dma_start3A_20 = arith.constant 0 : i32
      %dma_start3A_21 = tpu.memref_slice %arg9[%mul3A_15, %dma_start3A_20] : memref<10240x128xf32, #tpu.memory_space<vmem_shared>> -> memref<640x128xf32, #tpu.memory_space<vmem_shared>>
      tpu.enqueue_dma source(%dma_start3A_21 : memref<640x128xf32, #tpu.memory_space<vmem_shared>>) target(%dma_start3A_19 : memref<640x128xf32, #tpu.memory_space<hbm>>) target_semaphore(%run_scoped3A : memref<!tpu.dma_semaphore, #tpu.memory_space<semaphore_mem>>)
      %dma_wait3A = arith.constant 0 : i32
      %dma_wait3A_22 = tpu.memref_slice %arg5[%arg0, %mul3A_17, %dma_wait3A] : memref<2x10240x128xf32, #tpu.memory_space<hbm>> -> memref<1x640x128xf32, #tpu.memory_space<hbm>>
      %dma_wait3A_23 = tpu.memref_squeeze %dma_wait3A_22 : memref<1x640x128xf32, #tpu.memory_space<hbm>> -> memref<640x128xf32, #tpu.memory_space<hbm>>
      %dma_wait3A_24 = arith.constant 0 : i32
      %dma_wait3A_25 = tpu.memref_slice %arg9[%mul3A_15, %dma_wait3A_24] : memref<10240x128xf32, #tpu.memory_space<vmem_shared>> -> memref<640x128xf32, #tpu.memory_space<vmem_shared>>
      tpu.wait_dma2 semaphore(%run_scoped3A : memref<!tpu.dma_semaphore, #tpu.memory_space<semaphore_mem>>) src(%dma_wait3A_25 : memref<640x128xf32, #tpu.memory_space<vmem_shared>>) dst(%dma_wait3A_23 : memref<640x128xf32, #tpu.memory_space<hbm>>)
      tpu.yield
    }) : () -> ()
    return
  }
}

#map = affine_map<(d0, d1) -> (0, 0, 0)>
module attributes {stable_mosaic.version = 14 : i64} {
  func.func @_edge_body(%arg0: i32, %arg1: i32, %arg2: memref<2x10000x128xf32, #tpu.memory_space<hbm>>, %arg3: memref<16x80x128xi32, #tpu.memory_space<hbm>>, %arg4: memref<16x80x128xi32, #tpu.memory_space<hbm>>, %arg5: memref<2x10240x128xf32, #tpu.memory_space<hbm>>, %arg6: memref<80x128xi32, #tpu.memory_space<vmem>>, %arg7: memref<80x128xi32, #tpu.memory_space<vmem>>, %arg8: memref<128x128xf32, #tpu.memory_space<vmem>>, %arg9: memref<10240x128xf32, #tpu.memory_space<vmem_shared>>, %arg10: memref<!tpu.dma_semaphore, #tpu.memory_space<semaphore_mem>>) attributes {dimension_semantics = [#tpu.dimension_semantics<core_parallel>, #tpu.dimension_semantics<subcore_parallel>], iteration_bounds = array<i64: 2, 16>, scalar_prefetch = 0 : i64, scratch_operands = 5 : i64, tpu.core_type = #tpu.core_type<sc_vector_subcore>, window_params = [{transform_indices = #map}, {transform_indices = #map}, {transform_indices = #map}, {transform_indices = #map}]} {
    %scan3A = arith.constant 0 : i32
    %scan3A_0 = arith.constant 128 : i32
    %scan3A_1 = arith.addi %scan3A, %scan3A_0 : i32
    %scan3A_2 = arith.constant 1 : i32
    scf.for %scan3A_18 = %scan3A to %scan3A_1 step %scan3A_2  : i32 {
      %scan3A_19 = arith.constant 0 : i32
      %scan3A_20 = arith.constant 8 : i32
      %scan3A_21 = arith.addi %scan3A_19, %scan3A_20 : i32
      %scan3A_22 = arith.constant 1 : i32
      scf.for %scan3A_24 = %scan3A_19 to %scan3A_21 step %scan3A_22  : i32 {
        %broadcast_in_dim3A = arith.constant 0.000000e+00 : f32
        %broadcast_in_dim3A_25 = vector.broadcast %broadcast_in_dim3A : f32 to vector<16xf32>
        %mul3A_26 = arith.constant 16 : i32
        %mul3A_27 = arith.muli %scan3A_24, %mul3A_26 : i32
        %swap3A = arith.index_cast %scan3A_18 : i32 to index
        %swap3A_28 = arith.index_cast %mul3A_27 : i32 to index
        %swap3A_29 = tpu.vector_load %arg8[%swap3A, %swap3A_28] {strides = array<i32>} : memref<128x128xf32, #tpu.memory_space<vmem>>, vector<1x16xf32>,
        %swap3A_30 = vector.shape_cast %swap3A_29 : vector<1x16xf32> to vector<16xf32>
        %swap3A_31 = vector.shape_cast %broadcast_in_dim3A_25 : vector<16xf32> to vector<1x16xf32>
        tpu.vector_store %arg8[%swap3A, %swap3A_28], %swap3A_31 {strides = array<i32>} : memref<128x128xf32, #tpu.memory_space<vmem>>, vector<1x16xf32>,
      }
      %scan3A_23 = arith.constant 8 : i32
    }
    %scan3A_3 = arith.constant 128 : i32
    %scan3A_4 = arith.constant 0 : i32
    %scan3A_5 = arith.constant 5 : i32
    %scan3A_6 = arith.addi %scan3A_4, %scan3A_5 : i32
    %scan3A_7 = arith.constant 1 : i32
    scf.for %scan3A_18 = %scan3A_4 to %scan3A_6 step %scan3A_7  : i32 {
      %mul3A_19 = arith.constant 640 : i32
      %mul3A_20 = arith.muli %arg1, %mul3A_19 : i32
      %mul3A_21 = arith.constant 128 : i32
      %mul3A_22 = arith.muli %scan3A_18, %mul3A_21 : i32
      %add3A = arith.addi %mul3A_20, %mul3A_22 : i32
      "tpu.region"() ({
        %run_scoped3A = tpu.sem_alloc : memref<!tpu.dma_semaphore, #tpu.memory_space<semaphore_mem>>
        %dma_start3A = arith.constant 0 : i32
        %dma_start3A_23 = tpu.memref_slice %arg9[%add3A, %dma_start3A] : memref<10240x128xf32, #tpu.memory_space<vmem_shared>> -> memref<128x128xf32, #tpu.memory_space<vmem_shared>>
        %dma_start3A_24 = arith.constant 0 : i32
        %dma_start3A_25 = tpu.memref_slice %arg9[%add3A, %dma_start3A_24] : memref<10240x128xf32, #tpu.memory_space<vmem_shared>> -> memref<128x128xf32, #tpu.memory_space<vmem_shared>>
        tpu.enqueue_dma source(%arg8 : memref<128x128xf32, #tpu.memory_space<vmem>>) target(%dma_start3A_25 : memref<128x128xf32, #tpu.memory_space<vmem_shared>>) target_semaphore(%run_scoped3A : memref<!tpu.dma_semaphore, #tpu.memory_space<semaphore_mem>>)
        %dma_wait3A = arith.constant 0 : i32
        %dma_wait3A_26 = tpu.memref_slice %arg9[%add3A, %dma_wait3A] : memref<10240x128xf32, #tpu.memory_space<vmem_shared>> -> memref<128x128xf32, #tpu.memory_space<vmem_shared>>
        %dma_wait3A_27 = arith.constant 0 : i32
        %dma_wait3A_28 = tpu.memref_slice %arg9[%add3A, %dma_wait3A_27] : memref<10240x128xf32, #tpu.memory_space<vmem_shared>> -> memref<128x128xf32, #tpu.memory_space<vmem_shared>>
        tpu.wait_dma2 semaphore(%run_scoped3A : memref<!tpu.dma_semaphore, #tpu.memory_space<semaphore_mem>>) src(%arg8 : memref<128x128xf32, #tpu.memory_space<vmem>>) dst(%dma_wait3A_28 : memref<128x128xf32, #tpu.memory_space<vmem_shared>>)
        tpu.yield
      }) : () -> ()
    }
    %scan3A_8 = arith.constant 5 : i32
    "tpu.region"() ({
      %run_scoped3A = tpu.sem_alloc : memref<!tpu.dma_semaphore, #tpu.memory_space<semaphore_mem>>
      %dma_start3A = arith.constant 0 : i32
      %dma_start3A_18 = arith.constant 0 : i32
      %dma_start3A_19 = tpu.memref_slice %arg3[%arg1, %dma_start3A, %dma_start3A_18] : memref<16x80x128xi32, #tpu.memory_space<hbm>> -> memref<1x80x128xi32, #tpu.memory_space<hbm>>
      %dma_start3A_20 = tpu.memref_squeeze %dma_start3A_19 : memref<1x80x128xi32, #tpu.memory_space<hbm>> -> memref<80x128xi32, #tpu.memory_space<hbm>>
      %dma_start3A_21 = arith.constant 0 : i32
      %dma_start3A_22 = arith.constant 0 : i32
      %dma_start3A_23 = tpu.memref_slice %arg3[%arg1, %dma_start3A_21, %dma_start3A_22] : memref<16x80x128xi32, #tpu.memory_space<hbm>> -> memref<1x80x128xi32, #tpu.memory_space<hbm>>
      %dma_start3A_24 = tpu.memref_squeeze %dma_start3A_23 : memref<1x80x128xi32, #tpu.memory_space<hbm>> -> memref<80x128xi32, #tpu.memory_space<hbm>>
      tpu.enqueue_dma source(%dma_start3A_24 : memref<80x128xi32, #tpu.memory_space<hbm>>) target(%arg6 : memref<80x128xi32, #tpu.memory_space<vmem>>) target_semaphore(%run_scoped3A : memref<!tpu.dma_semaphore, #tpu.memory_space<semaphore_mem>>)
      %dma_wait3A = arith.constant 0 : i32
      %dma_wait3A_25 = arith.constant 0 : i32
      %dma_wait3A_26 = tpu.memref_slice %arg3[%arg1, %dma_wait3A, %dma_wait3A_25] : memref<16x80x128xi32, #tpu.memory_space<hbm>> -> memref<1x80x128xi32, #tpu.memory_space<hbm>>
      %dma_wait3A_27 = tpu.memref_squeeze %dma_wait3A_26 : memref<1x80x128xi32, #tpu.memory_space<hbm>> -> memref<80x128xi32, #tpu.memory_space<hbm>>
      %dma_wait3A_28 = arith.constant 0 : i32
      %dma_wait3A_29 = arith.constant 0 : i32
      %dma_wait3A_30 = tpu.memref_slice %arg3[%arg1, %dma_wait3A_28, %dma_wait3A_29] : memref<16x80x128xi32, #tpu.memory_space<hbm>> -> memref<1x80x128xi32, #tpu.memory_space<hbm>>
      %dma_wait3A_31 = tpu.memref_squeeze %dma_wait3A_30 : memref<1x80x128xi32, #tpu.memory_space<hbm>> -> memref<80x128xi32, #tpu.memory_space<hbm>>
      tpu.wait_dma2 semaphore(%run_scoped3A : memref<!tpu.dma_semaphore, #tpu.memory_space<semaphore_mem>>) src(%dma_wait3A_31 : memref<80x128xi32, #tpu.memory_space<hbm>>) dst(%arg6 : memref<80x128xi32, #tpu.memory_space<vmem>>)
      tpu.yield
    }) : () -> ()
    "tpu.region"() ({
      %run_scoped3A = tpu.sem_alloc : memref<!tpu.dma_semaphore, #tpu.memory_space<semaphore_mem>>
      %dma_start3A = arith.constant 0 : i32
      %dma_start3A_18 = arith.constant 0 : i32
      %dma_start3A_19 = tpu.memref_slice %arg4[%arg1, %dma_start3A, %dma_start3A_18] : memref<16x80x128xi32, #tpu.memory_space<hbm>> -> memref<1x80x128xi32, #tpu.memory_space<hbm>>
      %dma_start3A_20 = tpu.memref_squeeze %dma_start3A_19 : memref<1x80x128xi32, #tpu.memory_space<hbm>> -> memref<80x128xi32, #tpu.memory_space<hbm>>
      %dma_start3A_21 = arith.constant 0 : i32
      %dma_start3A_22 = arith.constant 0 : i32
      %dma_start3A_23 = tpu.memref_slice %arg4[%arg1, %dma_start3A_21, %dma_start3A_22] : memref<16x80x128xi32, #tpu.memory_space<hbm>> -> memref<1x80x128xi32, #tpu.memory_space<hbm>>
      %dma_start3A_24 = tpu.memref_squeeze %dma_start3A_23 : memref<1x80x128xi32, #tpu.memory_space<hbm>> -> memref<80x128xi32, #tpu.memory_space<hbm>>
      tpu.enqueue_dma source(%dma_start3A_24 : memref<80x128xi32, #tpu.memory_space<hbm>>) target(%arg7 : memref<80x128xi32, #tpu.memory_space<vmem>>) target_semaphore(%run_scoped3A : memref<!tpu.dma_semaphore, #tpu.memory_space<semaphore_mem>>)
      %dma_wait3A = arith.constant 0 : i32
      %dma_wait3A_25 = arith.constant 0 : i32
      %dma_wait3A_26 = tpu.memref_slice %arg4[%arg1, %dma_wait3A, %dma_wait3A_25] : memref<16x80x128xi32, #tpu.memory_space<hbm>> -> memref<1x80x128xi32, #tpu.memory_space<hbm>>
      %dma_wait3A_27 = tpu.memref_squeeze %dma_wait3A_26 : memref<1x80x128xi32, #tpu.memory_space<hbm>> -> memref<80x128xi32, #tpu.memory_space<hbm>>
      %dma_wait3A_28 = arith.constant 0 : i32
      %dma_wait3A_29 = arith.constant 0 : i32
      %dma_wait3A_30 = tpu.memref_slice %arg4[%arg1, %dma_wait3A_28, %dma_wait3A_29] : memref<16x80x128xi32, #tpu.memory_space<hbm>> -> memref<1x80x128xi32, #tpu.memory_space<hbm>>
      %dma_wait3A_31 = tpu.memref_squeeze %dma_wait3A_30 : memref<1x80x128xi32, #tpu.memory_space<hbm>> -> memref<80x128xi32, #tpu.memory_space<hbm>>
      tpu.wait_dma2 semaphore(%run_scoped3A : memref<!tpu.dma_semaphore, #tpu.memory_space<semaphore_mem>>) src(%dma_wait3A_31 : memref<80x128xi32, #tpu.memory_space<hbm>>) dst(%arg7 : memref<80x128xi32, #tpu.memory_space<vmem>>)
      tpu.yield
    }) : () -> ()
    %barrier3A = arith.constant 0 : index
    tpu.barrier barrier_id(%barrier3A)
    %scan3A_9 = arith.constant 0 : i32
    %scan3A_10 = arith.constant 80 : i32
    %scan3A_11 = arith.addi %scan3A_9, %scan3A_10 : i32
    %scan3A_12 = arith.constant 1 : i32
    scf.for %scan3A_18 = %scan3A_9 to %scan3A_11 step %scan3A_12  : i32 {
      %dma_start3A = arith.constant 0 : i32
      %dma_start3A_19 = tpu.memref_slice %arg6[%scan3A_18, %dma_start3A] : memref<80x128xi32, #tpu.memory_space<vmem>> -> memref<1x128xi32, #tpu.memory_space<vmem>>
      %dma_start3A_20 = tpu.memref_squeeze %dma_start3A_19 : memref<1x128xi32, #tpu.memory_space<vmem>> -> memref<128xi32, #tpu.memory_space<vmem>>
      %dma_start3A_21 = arith.constant 0 : i32
      %dma_start3A_22 = arith.constant 0 : i32
      %dma_start3A_23 = tpu.memref_slice %arg2[%arg0, %dma_start3A_21, %dma_start3A_22] : memref<2x10000x128xf32, #tpu.memory_space<hbm>> -> memref<1x10000x128xf32, #tpu.memory_space<hbm>>
      %dma_start3A_24 = tpu.memref_squeeze %dma_start3A_23 : memref<1x10000x128xf32, #tpu.memory_space<hbm>> -> memref<10000x128xf32, #tpu.memory_space<hbm>>
      %dma_start3A_25 = arith.constant 0 : i32
      %dma_start3A_26 = arith.constant 0 : i32
      %dma_start3A_27 = tpu.memref_slice %dma_start3A_24[%dma_start3A_25, %dma_start3A_26] : memref<10000x128xf32, #tpu.memory_space<hbm>> -> memref<10000x128xf32, #tpu.memory_space<hbm>>
      tpu.enqueue_indirect_dma source(%dma_start3A_27 : memref<10000x128xf32, #tpu.memory_space<hbm>>) target(%arg8 : memref<128x128xf32, #tpu.memory_space<vmem>>) offsets(%dma_start3A_20 : memref<128xi32, #tpu.memory_space<vmem>>) semaphore(%arg10 : memref<!tpu.dma_semaphore, #tpu.memory_space<semaphore_mem>>)
      %dma_wait3A = arith.constant 0 : i32
      %dma_wait3A_28 = tpu.memref_slice %arg6[%scan3A_18, %dma_wait3A] : memref<80x128xi32, #tpu.memory_space<vmem>> -> memref<1x128xi32, #tpu.memory_space<vmem>>
      %dma_wait3A_29 = tpu.memref_squeeze %dma_wait3A_28 : memref<1x128xi32, #tpu.memory_space<vmem>> -> memref<128xi32, #tpu.memory_space<vmem>>
      %dma_wait3A_30 = arith.constant 0 : i32
      %dma_wait3A_31 = arith.constant 0 : i32
      %dma_wait3A_32 = tpu.memref_slice %arg2[%arg0, %dma_wait3A_30, %dma_wait3A_31] : memref<2x10000x128xf32, #tpu.memory_space<hbm>> -> memref<1x10000x128xf32, #tpu.memory_space<hbm>>
      %dma_wait3A_33 = tpu.memref_squeeze %dma_wait3A_32 : memref<1x10000x128xf32, #tpu.memory_space<hbm>> -> memref<10000x128xf32, #tpu.memory_space<hbm>>
      %dma_wait3A_34 = arith.constant 0 : i32
      %dma_wait3A_35 = arith.constant 0 : i32
      %dma_wait3A_36 = tpu.memref_slice %dma_wait3A_33[%dma_wait3A_34, %dma_wait3A_35] : memref<10000x128xf32, #tpu.memory_space<hbm>> -> memref<10000x128xf32, #tpu.memory_space<hbm>>
      tpu.wait_indirect_dma semaphore(%arg10 : memref<!tpu.dma_semaphore, #tpu.memory_space<semaphore_mem>>) src(%dma_wait3A_36 : memref<10000x128xf32, #tpu.memory_space<hbm>>) dst(%arg8 : memref<128x128xf32, #tpu.memory_space<vmem>>)
      "tpu.region"() ({
        %run_scoped3A = tpu.sem_alloc : memref<!tpu.dma_semaphore, #tpu.memory_space<semaphore_mem>>
        %dma_start3A_37 = arith.constant 0 : i32
        %dma_start3A_38 = tpu.memref_slice %arg7[%scan3A_18, %dma_start3A_37] : memref<80x128xi32, #tpu.memory_space<vmem>> -> memref<1x128xi32, #tpu.memory_space<vmem>>
        %dma_start3A_39 = tpu.memref_squeeze %dma_start3A_38 : memref<1x128xi32, #tpu.memory_space<vmem>> -> memref<128xi32, #tpu.memory_space<vmem>>
        %dma_start3A_40 = arith.constant 0 : i32
        %dma_start3A_41 = arith.constant 0 : i32
        %dma_start3A_42 = tpu.memref_slice %arg9[%dma_start3A_40, %dma_start3A_41] : memref<10240x128xf32, #tpu.memory_space<vmem_shared>> -> memref<10240x128xf32, #tpu.memory_space<vmem_shared>>
        tpu.enqueue_indirect_dma source(%arg8 : memref<128x128xf32, #tpu.memory_space<vmem>>) target(%dma_start3A_42 : memref<10240x128xf32, #tpu.memory_space<vmem_shared>>) offsets(%dma_start3A_39 : memref<128xi32, #tpu.memory_space<vmem>>) semaphore(%run_scoped3A : memref<!tpu.dma_semaphore, #tpu.memory_space<semaphore_mem>>) {add = true}
        %dma_wait3A_43 = arith.constant 0 : i32
        %dma_wait3A_44 = tpu.memref_slice %arg7[%scan3A_18, %dma_wait3A_43] : memref<80x128xi32, #tpu.memory_space<vmem>> -> memref<1x128xi32, #tpu.memory_space<vmem>>
        %dma_wait3A_45 = tpu.memref_squeeze %dma_wait3A_44 : memref<1x128xi32, #tpu.memory_space<vmem>> -> memref<128xi32, #tpu.memory_space<vmem>>
        %dma_wait3A_46 = arith.constant 0 : i32
        %dma_wait3A_47 = arith.constant 0 : i32
        %dma_wait3A_48 = tpu.memref_slice %arg9[%dma_wait3A_46, %dma_wait3A_47] : memref<10240x128xf32, #tpu.memory_space<vmem_shared>> -> memref<10240x128xf32, #tpu.memory_space<vmem_shared>>
        tpu.wait_indirect_dma semaphore(%run_scoped3A : memref<!tpu.dma_semaphore, #tpu.memory_space<semaphore_mem>>) src(%arg8 : memref<128x128xf32, #tpu.memory_space<vmem>>) dst(%dma_wait3A_48 : memref<10240x128xf32, #tpu.memory_space<vmem_shared>>)
        tpu.yield
      }) : () -> ()
    }
    %scan3A_13 = arith.constant 80 : i32
    %barrier3A_14 = arith.constant 0 : index
    tpu.barrier barrier_id(%barrier3A_14)
    %mul3A = arith.constant 640 : i32
    %mul3A_15 = arith.muli %arg1, %mul3A : i32
    %mul3A_16 = arith.constant 640 : i32
    %mul3A_17 = arith.muli %arg1, %mul3A_16 : i32
    "tpu.region"() ({
      %run_scoped3A = tpu.sem_alloc : memref<!tpu.dma_semaphore, #tpu.memory_space<semaphore_mem>>
      %dma_start3A = arith.constant 0 : i32
      %dma_start3A_18 = tpu.memref_slice %arg5[%arg0, %mul3A_17, %dma_start3A] : memref<2x10240x128xf32, #tpu.memory_space<hbm>> -> memref<1x640x128xf32, #tpu.memory_space<hbm>>
      %dma_start3A_19 = tpu.memref_squeeze %dma_start3A_18 : memref<1x640x128xf32, #tpu.memory_space<hbm>> -> memref<640x128xf32, #tpu.memory_space<hbm>>
      %dma_start3A_20 = arith.constant 0 : i32
      %dma_start3A_21 = tpu.memref_slice %arg9[%mul3A_15, %dma_start3A_20] : memref<10240x128xf32, #tpu.memory_space<vmem_shared>> -> memref<640x128xf32, #tpu.memory_space<vmem_shared>>
      tpu.enqueue_dma source(%dma_start3A_21 : memref<640x128xf32, #tpu.memory_space<vmem_shared>>) target(%dma_start3A_19 : memref<640x128xf32, #tpu.memory_space<hbm>>) target_semaphore(%run_scoped3A : memref<!tpu.dma_semaphore, #tpu.memory_space<semaphore_mem>>)
      %dma_wait3A = arith.constant 0 : i32
      %dma_wait3A_22 = tpu.memref_slice %arg5[%arg0, %mul3A_17, %dma_wait3A] : memref<2x10240x128xf32, #tpu.memory_space<hbm>> -> memref<1x640x128xf32, #tpu.memory_space<hbm>>
      %dma_wait3A_23 = tpu.memref_squeeze %dma_wait3A_22 : memref<1x640x128xf32, #tpu.memory_space<hbm>> -> memref<640x128xf32, #tpu.memory_space<hbm>>
      %dma_wait3A_24 = arith.constant 0 : i32
      %dma_wait3A_25 = tpu.memref_slice %arg9[%mul3A_15, %dma_wait3A_24] : memref<10240x128xf32, #tpu.memory_space<vmem_shared>> -> memref<640x128xf32, #tpu.memory_space<vmem_shared>>
      tpu.wait_dma2 semaphore(%run_scoped3A : memref<!tpu.dma_semaphore, #tpu.memory_space<semaphore_mem>>) src(%dma_wait3A_25 : memref<640x128xf32, #tpu.memory_space<vmem_shared>>) dst(%dma_wait3A_23 : memref<640x128xf32, #tpu.memory_space<hbm>>)
      tpu.yield
    }) : () -> ()
    return
  }
}

#map = affine_map<(d0, d1) -> (0, 0, 0)>
module attributes {stable_mosaic.version = 14 : i64} {
  func.func @_deg_body(%arg0: i32, %arg1: i32, %arg2: memref<16x80x128xi32, #tpu.memory_space<hbm>>, %arg3: memref<2x5120x16xf32, #tpu.memory_space<hbm>>, %arg4: memref<80x128xi32, #tpu.memory_space<vmem>>, %arg5: memref<128x16xf32, #tpu.memory_space<vmem>>, %arg6: memref<320x16xf32, #tpu.memory_space<vmem>>, %arg7: memref<5120x16xf32, #tpu.memory_space<vmem_shared>>, %arg8: memref<!tpu.dma_semaphore, #tpu.memory_space<semaphore_mem>>) attributes {dimension_semantics = [#tpu.dimension_semantics<core_parallel>, #tpu.dimension_semantics<subcore_parallel>], iteration_bounds = array<i64: 2, 16>, scalar_prefetch = 0 : i64, scratch_operands = 5 : i64, tpu.core_type = #tpu.core_type<sc_vector_subcore>, window_params = [{transform_indices = #map}, {transform_indices = #map}]} {
    %scan3A = arith.constant 0 : i32
    %scan3A_0 = arith.constant 128 : i32
    %scan3A_1 = arith.addi %scan3A, %scan3A_0 : i32
    %scan3A_2 = arith.constant 1 : i32
    scf.for %scan3A_32 = %scan3A to %scan3A_1 step %scan3A_2  : i32 {
      %broadcast_in_dim3A = arith.constant 1.000000e+00 : f32
      %broadcast_in_dim3A_33 = vector.broadcast %broadcast_in_dim3A : f32 to vector<16xf32>
      %swap3A = arith.index_cast %scan3A_32 : i32 to index
      %swap3A_34 = arith.constant 0 : index
      %swap3A_35 = tpu.vector_load %arg5[%swap3A, %swap3A_34] {strides = array<i32>} : memref<128x16xf32, #tpu.memory_space<vmem>>, vector<1x16xf32>,
      %swap3A_36 = vector.shape_cast %swap3A_35 : vector<1x16xf32> to vector<16xf32>
      %swap3A_37 = vector.shape_cast %broadcast_in_dim3A_33 : vector<16xf32> to vector<1x16xf32>
      tpu.vector_store %arg5[%swap3A, %swap3A_34], %swap3A_37 {strides = array<i32>} : memref<128x16xf32, #tpu.memory_space<vmem>>, vector<1x16xf32>,
    }
    %scan3A_3 = arith.constant 128 : i32
    %scan3A_4 = arith.constant 0 : i32
    %scan3A_5 = arith.constant 320 : i32
    %scan3A_6 = arith.addi %scan3A_4, %scan3A_5 : i32
    %scan3A_7 = arith.constant 1 : i32
    scf.for %scan3A_32 = %scan3A_4 to %scan3A_6 step %scan3A_7  : i32 {
      %broadcast_in_dim3A = arith.constant 0.000000e+00 : f32
      %broadcast_in_dim3A_33 = vector.broadcast %broadcast_in_dim3A : f32 to vector<16xf32>
      %swap3A = arith.index_cast %scan3A_32 : i32 to index
      %swap3A_34 = arith.constant 0 : index
      %swap3A_35 = tpu.vector_load %arg6[%swap3A, %swap3A_34] {strides = array<i32>} : memref<320x16xf32, #tpu.memory_space<vmem>>, vector<1x16xf32>,
      %swap3A_36 = vector.shape_cast %swap3A_35 : vector<1x16xf32> to vector<16xf32>
      %swap3A_37 = vector.shape_cast %broadcast_in_dim3A_33 : vector<16xf32> to vector<1x16xf32>
      tpu.vector_store %arg6[%swap3A, %swap3A_34], %swap3A_37 {strides = array<i32>} : memref<320x16xf32, #tpu.memory_space<vmem>>, vector<1x16xf32>,
    }
    %scan3A_8 = arith.constant 320 : i32
    %mul3A = arith.constant 320 : i32
    %mul3A_9 = arith.muli %arg1, %mul3A : i32
    "tpu.region"() ({
      %run_scoped3A = tpu.sem_alloc : memref<!tpu.dma_semaphore, #tpu.memory_space<semaphore_mem>>
      %dma_start3A = arith.constant 0 : i32
      %dma_start3A_32 = tpu.memref_slice %arg7[%mul3A_9, %dma_start3A] : memref<5120x16xf32, #tpu.memory_space<vmem_shared>> -> memref<320x16xf32, #tpu.memory_space<vmem_shared>>
      %dma_start3A_33 = arith.constant 0 : i32
      %dma_start3A_34 = tpu.memref_slice %arg7[%mul3A_9, %dma_start3A_33] : memref<5120x16xf32, #tpu.memory_space<vmem_shared>> -> memref<320x16xf32, #tpu.memory_space<vmem_shared>>
      tpu.enqueue_dma source(%arg6 : memref<320x16xf32, #tpu.memory_space<vmem>>) target(%dma_start3A_34 : memref<320x16xf32, #tpu.memory_space<vmem_shared>>) target_semaphore(%run_scoped3A : memref<!tpu.dma_semaphore, #tpu.memory_space<semaphore_mem>>)
      %dma_wait3A = arith.constant 0 : i32
      %dma_wait3A_35 = tpu.memref_slice %arg7[%mul3A_9, %dma_wait3A] : memref<5120x16xf32, #tpu.memory_space<vmem_shared>> -> memref<320x16xf32, #tpu.memory_space<vmem_shared>>
      %dma_wait3A_36 = arith.constant 0 : i32
      %dma_wait3A_37 = tpu.memref_slice %arg7[%mul3A_9, %dma_wait3A_36] : memref<5120x16xf32, #tpu.memory_space<vmem_shared>> -> memref<320x16xf32, #tpu.memory_space<vmem_shared>>
      tpu.wait_dma2 semaphore(%run_scoped3A : memref<!tpu.dma_semaphore, #tpu.memory_space<semaphore_mem>>) src(%arg6 : memref<320x16xf32, #tpu.memory_space<vmem>>) dst(%dma_wait3A_37 : memref<320x16xf32, #tpu.memory_space<vmem_shared>>)
      tpu.yield
    }) : () -> ()
    %barrier3A = arith.constant 0 : index
    tpu.barrier barrier_id(%barrier3A)
    "tpu.region"() ({
      %run_scoped3A = tpu.sem_alloc : memref<!tpu.dma_semaphore, #tpu.memory_space<semaphore_mem>>
      %dma_start3A = arith.constant 0 : i32
      %dma_start3A_32 = arith.constant 0 : i32
      %dma_start3A_33 = tpu.memref_slice %arg2[%arg1, %dma_start3A, %dma_start3A_32] : memref<16x80x128xi32, #tpu.memory_space<hbm>> -> memref<1x80x128xi32, #tpu.memory_space<hbm>>
      %dma_start3A_34 = tpu.memref_squeeze %dma_start3A_33 : memref<1x80x128xi32, #tpu.memory_space<hbm>> -> memref<80x128xi32, #tpu.memory_space<hbm>>
      %dma_start3A_35 = arith.constant 0 : i32
      %dma_start3A_36 = arith.constant 0 : i32
      %dma_start3A_37 = tpu.memref_slice %arg2[%arg1, %dma_start3A_35, %dma_start3A_36] : memref<16x80x128xi32, #tpu.memory_space<hbm>> -> memref<1x80x128xi32, #tpu.memory_space<hbm>>
      %dma_start3A_38 = tpu.memref_squeeze %dma_start3A_37 : memref<1x80x128xi32, #tpu.memory_space<hbm>> -> memref<80x128xi32, #tpu.memory_space<hbm>>
      tpu.enqueue_dma source(%dma_start3A_38 : memref<80x128xi32, #tpu.memory_space<hbm>>) target(%arg4 : memref<80x128xi32, #tpu.memory_space<vmem>>) target_semaphore(%run_scoped3A : memref<!tpu.dma_semaphore, #tpu.memory_space<semaphore_mem>>)
      %dma_wait3A = arith.constant 0 : i32
      %dma_wait3A_39 = arith.constant 0 : i32
      %dma_wait3A_40 = tpu.memref_slice %arg2[%arg1, %dma_wait3A, %dma_wait3A_39] : memref<16x80x128xi32, #tpu.memory_space<hbm>> -> memref<1x80x128xi32, #tpu.memory_space<hbm>>
      %dma_wait3A_41 = tpu.memref_squeeze %dma_wait3A_40 : memref<1x80x128xi32, #tpu.memory_space<hbm>> -> memref<80x128xi32, #tpu.memory_space<hbm>>
      %dma_wait3A_42 = arith.constant 0 : i32
      %dma_wait3A_43 = arith.constant 0 : i32
      %dma_wait3A_44 = tpu.memref_slice %arg2[%arg1, %dma_wait3A_42, %dma_wait3A_43] : memref<16x80x128xi32, #tpu.memory_space<hbm>> -> memref<1x80x128xi32, #tpu.memory_space<hbm>>
      %dma_wait3A_45 = tpu.memref_squeeze %dma_wait3A_44 : memref<1x80x128xi32, #tpu.memory_space<hbm>> -> memref<80x128xi32, #tpu.memory_space<hbm>>
      tpu.wait_dma2 semaphore(%run_scoped3A : memref<!tpu.dma_semaphore, #tpu.memory_space<semaphore_mem>>) src(%dma_wait3A_45 : memref<80x128xi32, #tpu.memory_space<hbm>>) dst(%arg4 : memref<80x128xi32, #tpu.memory_space<vmem>>)
      tpu.yield
    }) : () -> ()
    %mul3A_10 = arith.constant 5000 : i32
    %mul3A_11 = arith.muli %arg0, %mul3A_10 : i32
    %scan3A_12 = arith.constant 0 : i32
    %scan3A_13 = arith.constant 80 : i32
    %scan3A_14 = arith.addi %scan3A_12, %scan3A_13 : i32
    %scan3A_15 = arith.constant 1 : i32
    scf.for %scan3A_32 = %scan3A_12 to %scan3A_14 step %scan3A_15  : i32 {
      %scan3A_33 = arith.constant 0 : i32
      %scan3A_34 = arith.constant 8 : i32
      %scan3A_35 = arith.addi %scan3A_33, %scan3A_34 : i32
      %scan3A_36 = arith.constant 1 : i32
      scf.for %scan3A_38 = %scan3A_33 to %scan3A_35 step %scan3A_36  : i32 {
        %mul3A_39 = arith.constant 16 : i32
        %mul3A_40 = arith.muli %scan3A_38, %mul3A_39 : i32
        %get3A = arith.index_cast %scan3A_32 : i32 to index
        %get3A_41 = arith.index_cast %mul3A_40 : i32 to index
        %get3A_42 = tpu.vector_load %arg4[%get3A, %get3A_41] {strides = array<i32>} : memref<80x128xi32, #tpu.memory_space<vmem>>, vector<1x16xi32>,
        %get3A_43 = vector.shape_cast %get3A_42 : vector<1x16xi32> to vector<16xi32>
        %sub3A = vector.broadcast %mul3A_11 : i32 to vector<16xi32>
        %sub3A_44 = arith.subi %get3A_43, %sub3A : vector<16xi32>
        %ge3A = arith.constant 0 : i32
        %ge3A_45 = vector.broadcast %ge3A : i32 to vector<16xi32>
        %ge3A_46 = arith.cmpi sge, %sub3A_44, %ge3A_45 : vector<16xi32>
        %lt3A = arith.constant 5000 : i32
        %lt3A_47 = vector.broadcast %lt3A : i32 to vector<16xi32>
        %lt3A_48 = arith.cmpi slt, %sub3A_44, %lt3A_47 : vector<16xi32>
        %and3A = arith.andi %ge3A_46, %lt3A_48 : vector<16xi1>
        %jit3A = arith.constant 5119 : i32
        %broadcast_in_dim3A = vector.broadcast %jit3A : i32 to vector<16xi32>
        %select_n3A = arith.select %and3A, %sub3A_44, %broadcast_in_dim3A : vector<16xi1>, vector<16xi32>
        %mul3A_49 = arith.constant 16 : i32
        %mul3A_50 = arith.muli %scan3A_38, %mul3A_49 : i32
        %swap3A = arith.index_cast %scan3A_32 : i32 to index
        %swap3A_51 = arith.index_cast %mul3A_50 : i32 to index
        %swap3A_52 = tpu.vector_load %arg4[%swap3A, %swap3A_51] {strides = array<i32>} : memref<80x128xi32, #tpu.memory_space<vmem>>, vector<1x16xi32>,
        %swap3A_53 = vector.shape_cast %swap3A_52 : vector<1x16xi32> to vector<16xi32>
        %swap3A_54 = vector.shape_cast %select_n3A : vector<16xi32> to vector<1x16xi32>
        tpu.vector_store %arg4[%swap3A, %swap3A_51], %swap3A_54 {strides = array<i32>} : memref<80x128xi32, #tpu.memory_space<vmem>>, vector<1x16xi32>,
      }
      %scan3A_37 = arith.constant 8 : i32
    }
    %scan3A_16 = arith.constant 80 : i32
    %scan3A_17 = arith.constant 0 : i32
    %scan3A_18 = arith.constant 80 : i32
    %scan3A_19 = arith.addi %scan3A_17, %scan3A_18 : i32
    %scan3A_20 = arith.constant 1 : i32
    scf.for %scan3A_32 = %scan3A_17 to %scan3A_19 step %scan3A_20  : i32 {
      %dma_start3A = arith.constant 0 : i32
      %dma_start3A_33 = tpu.memref_slice %arg4[%scan3A_32, %dma_start3A] : memref<80x128xi32, #tpu.memory_space<vmem>> -> memref<1x128xi32, #tpu.memory_space<vmem>>
      %dma_start3A_34 = tpu.memref_squeeze %dma_start3A_33 : memref<1x128xi32, #tpu.memory_space<vmem>> -> memref<128xi32, #tpu.memory_space<vmem>>
      %dma_start3A_35 = arith.constant 0 : i32
      %dma_start3A_36 = arith.constant 0 : i32
      %dma_start3A_37 = tpu.memref_slice %arg7[%dma_start3A_35, %dma_start3A_36] : memref<5120x16xf32, #tpu.memory_space<vmem_shared>> -> memref<5120x16xf32, #tpu.memory_space<vmem_shared>>
      tpu.enqueue_indirect_dma source(%arg5 : memref<128x16xf32, #tpu.memory_space<vmem>>) target(%dma_start3A_37 : memref<5120x16xf32, #tpu.memory_space<vmem_shared>>) offsets(%dma_start3A_34 : memref<128xi32, #tpu.memory_space<vmem>>) semaphore(%arg8 : memref<!tpu.dma_semaphore, #tpu.memory_space<semaphore_mem>>) {add = true}
    }
    %scan3A_21 = arith.constant 80 : i32
    %scan3A_22 = arith.constant 0 : i32
    %scan3A_23 = arith.constant 80 : i32
    %scan3A_24 = arith.addi %scan3A_22, %scan3A_23 : i32
    %scan3A_25 = arith.constant 1 : i32
    scf.for %scan3A_32 = %scan3A_22 to %scan3A_24 step %scan3A_25  : i32 {
      %dma_wait3A = arith.constant 0 : i32
      %dma_wait3A_33 = arith.constant 0 : i32
      %dma_wait3A_34 = tpu.memref_slice %arg4[%dma_wait3A, %dma_wait3A_33] : memref<80x128xi32, #tpu.memory_space<vmem>> -> memref<1x128xi32, #tpu.memory_space<vmem>>
      %dma_wait3A_35 = tpu.memref_squeeze %dma_wait3A_34 : memref<1x128xi32, #tpu.memory_space<vmem>> -> memref<128xi32, #tpu.memory_space<vmem>>
      %dma_wait3A_36 = arith.constant 0 : i32
      %dma_wait3A_37 = arith.constant 0 : i32
      %dma_wait3A_38 = tpu.memref_slice %arg7[%dma_wait3A_36, %dma_wait3A_37] : memref<5120x16xf32, #tpu.memory_space<vmem_shared>> -> memref<5120x16xf32, #tpu.memory_space<vmem_shared>>
      tpu.wait_indirect_dma semaphore(%arg8 : memref<!tpu.dma_semaphore, #tpu.memory_space<semaphore_mem>>) src(%arg5 : memref<128x16xf32, #tpu.memory_space<vmem>>) dst(%dma_wait3A_38 : memref<5120x16xf32, #tpu.memory_space<vmem_shared>>)
    }
    %scan3A_26 = arith.constant 80 : i32
    %barrier3A_27 = arith.constant 0 : index
    tpu.barrier barrier_id(%barrier3A_27)
    %mul3A_28 = arith.constant 320 : i32
    %mul3A_29 = arith.muli %arg1, %mul3A_28 : i32
    %mul3A_30 = arith.constant 320 : i32
    %mul3A_31 = arith.muli %arg1, %mul3A_30 : i32
    "tpu.region"() ({
      %run_scoped3A = tpu.sem_alloc : memref<!tpu.dma_semaphore, #tpu.memory_space<semaphore_mem>>
      %dma_start3A = arith.constant 0 : i32
      %dma_start3A_32 = tpu.memref_slice %arg3[%arg0, %mul3A_31, %dma_start3A] : memref<2x5120x16xf32, #tpu.memory_space<hbm>> -> memref<1x320x16xf32, #tpu.memory_space<hbm>>
      %dma_start3A_33 = tpu.memref_squeeze %dma_start3A_32 : memref<1x320x16xf32, #tpu.memory_space<hbm>> -> memref<320x16xf32, #tpu.memory_space<hbm>>
      %dma_start3A_34 = arith.constant 0 : i32
      %dma_start3A_35 = tpu.memref_slice %arg7[%mul3A_29, %dma_start3A_34] : memref<5120x16xf32, #tpu.memory_space<vmem_shared>> -> memref<320x16xf32, #tpu.memory_space<vmem_shared>>
      tpu.enqueue_dma source(%dma_start3A_35 : memref<320x16xf32, #tpu.memory_space<vmem_shared>>) target(%dma_start3A_33 : memref<320x16xf32, #tpu.memory_space<hbm>>) target_semaphore(%run_scoped3A : memref<!tpu.dma_semaphore, #tpu.memory_space<semaphore_mem>>)
      %dma_wait3A = arith.constant 0 : i32
      %dma_wait3A_36 = tpu.memref_slice %arg3[%arg0, %mul3A_31, %dma_wait3A] : memref<2x5120x16xf32, #tpu.memory_space<hbm>> -> memref<1x320x16xf32, #tpu.memory_space<hbm>>
      %dma_wait3A_37 = tpu.memref_squeeze %dma_wait3A_36 : memref<1x320x16xf32, #tpu.memory_space<hbm>> -> memref<320x16xf32, #tpu.memory_space<hbm>>
      %dma_wait3A_38 = arith.constant 0 : i32
      %dma_wait3A_39 = tpu.memref_slice %arg7[%mul3A_29, %dma_wait3A_38] : memref<5120x16xf32, #tpu.memory_space<vmem_shared>> -> memref<320x16xf32, #tpu.memory_space<vmem_shared>>
      tpu.wait_dma2 semaphore(%run_scoped3A : memref<!tpu.dma_semaphore, #tpu.memory_space<semaphore_mem>>) src(%dma_wait3A_39 : memref<320x16xf32, #tpu.memory_space<vmem_shared>>) dst(%dma_wait3A_37 : memref<320x16xf32, #tpu.memory_space<hbm>>)
      tpu.yield
    }) : () -> ()
    return
  }
}

module attributes {stable_mosaic.version = 14 : i64} {
  func.func @_dinv_body(%arg0: i32, %arg1: memref<1x1000x16xf32, #tpu.memory_space<vmem>>, %arg2: memref<1000x1xf32, #tpu.memory_space<vmem>>) attributes {dimension_semantics = [#tpu.dimension_semantics<arbitrary>], iteration_bounds = array<i64: 10>, scalar_prefetch = 0 : i64, scratch_operands = 0 : i64, tpu.core_type = #tpu.core_type<tc>, window_params = [{transform_indices = @transform_0, window_bounds = array<i64: 1, 1000, 16>}, {transform_indices = @transform_1, window_bounds = array<i64: 1000, 1>}]} {
    %get3A = arith.constant 0 : index
    %get3A_0 = arith.constant 0 : index
    %get3A_1 = arith.constant 0 : index
    %get3A_2 = vector.load %arg1[%get3A, %get3A_0, %get3A_1] : memref<1x1000x16xf32, #tpu.memory_space<vmem>>, vector<1x1000x16xf32>
    %get3A_3 = vector.shape_cast %get3A_2 : vector<1x1000x16xf32> to vector<1000x16xf32>
    %slice3A = vector.extract_strided_slice %get3A_3 {offsets = [0, 0], sizes = [1000, 1], strides = [1, 1]} : vector<1000x16xf32> to vector<1000x1xf32>
    %add3A = arith.constant 1.000000e+00 : f32
    %add3A_4 = vector.broadcast %add3A : f32 to vector<1000x1xf32>
    %add3A_5 = arith.addf %slice3A, %add3A_4 : vector<1000x1xf32>
    %rsqrt3A = math.rsqrt %add3A_5 : vector<1000x1xf32>
    %swap3A = arith.constant 0 : index
    %swap3A_6 = arith.constant 0 : index
    %swap3A_7 = vector.load %arg2[%swap3A, %swap3A_6] : memref<1000x1xf32, #tpu.memory_space<vmem>>, vector<1000x1xf32>
    tpu.vector_store %arg2[%swap3A, %swap3A_6], %rsqrt3A {strides = array<i32>} : memref<1000x1xf32, #tpu.memory_space<vmem>>, vector<1000x1xf32>,
    return
  }
  func.func @transform_0(%arg0: i32) -> (i32, i32, i32) {
    %jit3A = arith.constant 5 : i32
    %div3A = arith.divsi %arg0, %jit3A : i32
    %sign3A = arith.constant 0 : i32
    %sign3A_0 = arith.cmpi sgt, %arg0, %sign3A : i32
    %sign3A_1 = arith.extui %sign3A_0 : i1 to i32
    %sign3A_2 = arith.constant 0 : i32
    %sign3A_3 = arith.cmpi slt, %arg0, %sign3A_2 : i32
    %sign3A_4 = arith.extui %sign3A_3 : i1 to i32
    %sign3A_5 = arith.subi %sign3A_1, %sign3A_4 : i32
    %sign3A_6 = arith.constant 0 : i32
    %sign3A_7 = arith.cmpi sgt, %jit3A, %sign3A_6 : i32
    %sign3A_8 = arith.extui %sign3A_7 : i1 to i32
    %sign3A_9 = arith.constant 0 : i32
    %sign3A_10 = arith.cmpi slt, %jit3A, %sign3A_9 : i32
    %sign3A_11 = arith.extui %sign3A_10 : i1 to i32
    %sign3A_12 = arith.subi %sign3A_8, %sign3A_11 : i32
    %ne3A = arith.cmpi ne, %sign3A_5, %sign3A_12 : i32
    %rem3A = arith.remsi %arg0, %jit3A : i32
    %ne3A_13 = arith.constant 0 : i32
    %ne3A_14 = arith.cmpi ne, %rem3A, %ne3A_13 : i32
    %and3A = arith.andi %ne3A, %ne3A_14 : i1
    %sub3A = arith.constant 1 : i32
    %sub3A_15 = arith.subi %div3A, %sub3A : i32
    %select_n3A = arith.select %and3A, %sub3A_15, %div3A : i32
    %jit3A_16 = arith.constant 5 : i32
    %eq3A = arith.constant 0 : i32
    %eq3A_17 = arith.cmpi eq, %jit3A_16, %eq3A : i32
    %jit3A_18 = arith.constant 1 : i32
    %select_n3A_19 = arith.select %eq3A_17, %jit3A_18, %jit3A_16 : i32
    %rem3A_20 = arith.remsi %arg0, %select_n3A_19 : i32
    %ne3A_21 = arith.constant 0 : i32
    %ne3A_22 = arith.cmpi ne, %rem3A_20, %ne3A_21 : i32
    %lt3A = arith.constant 0 : i32
    %lt3A_23 = arith.cmpi slt, %rem3A_20, %lt3A : i32
    %lt3A_24 = arith.constant 0 : i32
    %lt3A_25 = arith.cmpi slt, %select_n3A_19, %lt3A_24 : i32
    %ne3A_26 = arith.xori %lt3A_23, %lt3A_25 : i1
    %and3A_27 = arith.andi %ne3A_26, %ne3A_22 : i1
    %add3A = arith.addi %rem3A_20, %select_n3A_19 : i32
    %select_n3A_28 = arith.select %and3A_27, %add3A, %rem3A_20 : i32
    %c0_i32 = arith.constant 0 : i32
    %c0_i32_29 = arith.constant 0 : i32
    return %select_n3A, %select_n3A_28, %c0_i32 : i32, i32, i32
  }
  func.func @transform_1(%arg0: i32) -> (i32, i32) {
    %c0_i32 = arith.constant 0 : i32
    %c0_i32_0 = arith.constant 0 : i32
    return %arg0, %c0_i32 : i32, i32
  }
}

module attributes {stable_mosaic.version = 14 : i64} {
  func.func @_proj_body(%arg0: i32, %arg1: memref<1000x256xf32, #tpu.memory_space<vmem>>, %arg2: memref<1x256x256xf32, #tpu.memory_space<vmem>>, %arg3: memref<1x1x256xf32, #tpu.memory_space<vmem>>, %arg4: memref<256x256xf32, #tpu.memory_space<vmem>>, %arg5: memref<1000x1xf32, #tpu.memory_space<vmem>>, %arg6: memref<2x1000x128xf32, #tpu.memory_space<vmem>>) attributes {dimension_semantics = [#tpu.dimension_semantics<arbitrary>], iteration_bounds = array<i64: 10>, scalar_prefetch = 0 : i64, scratch_operands = 0 : i64, tpu.core_type = #tpu.core_type<tc>, window_params = [{transform_indices = @transform_0, window_bounds = array<i64: 1000, 256>}, {transform_indices = @transform_1, window_bounds = array<i64: 1, 256, 256>}, {transform_indices = @transform_2, window_bounds = array<i64: 1, 1, 256>}, {pipeline_mode = #tpu.pipeline_mode<synchronous>, transform_indices = @transform_3, window_bounds = array<i64: 256, 256>}, {transform_indices = @transform_4, window_bounds = array<i64: 1000, 1>}, {transform_indices = @transform_5, window_bounds = array<i64: 2, 1000, 128>}]} {
    %get3A = arith.constant 0 : index
    %get3A_0 = arith.constant 0 : index
    %get3A_1 = vector.load %arg1[%get3A, %get3A_0] : memref<1000x256xf32, #tpu.memory_space<vmem>>, vector<1000x256xf32>
    %get3A_2 = arith.constant 0 : index
    %get3A_3 = arith.constant 0 : index
    %get3A_4 = arith.constant 0 : index
    %get3A_5 = vector.load %arg2[%get3A_2, %get3A_3, %get3A_4] : memref<1x256x256xf32, #tpu.memory_space<vmem>>, vector<1x256x256xf32>
    %get3A_6 = vector.shape_cast %get3A_5 : vector<1x256x256xf32> to vector<256x256xf32>
    %dot_general3A = arith.constant dense<0.000000e+00> : vector<1000x256xf32>
    %dot_general3A_7 = tpu.matmul %get3A_1, %get3A_6, %dot_general3A {dimension_numbers = #tpu.dot_dimension_numbers<[1], [0], [0], [1], [0, 0, 1, 1], [], []>, transpose_lhs_hint = false} : vector<1000x256xf32>, vector<256x256xf32>, vector<1000x256xf32> -> vector<1000x256xf32>
    %get3A_8 = arith.constant 0 : index
    %get3A_9 = arith.constant 0 : index
    %get3A_10 = arith.constant 0 : index
    %get3A_11 = vector.load %arg3[%get3A_8, %get3A_9, %get3A_10] : memref<1x1x256xf32, #tpu.memory_space<vmem>>, vector<1x1x256xf32>
    %get3A_12 = vector.shape_cast %get3A_11 : vector<1x1x256xf32> to vector<1x256xf32>
    %add3A = vector.broadcast %get3A_12 : vector<1x256xf32> to vector<1000x256xf32>
    %add3A_13 = arith.addf %dot_general3A_7, %add3A : vector<1000x256xf32>
    %max3A = arith.constant 0.000000e+00 : f32
    %max3A_14 = vector.broadcast %max3A : f32 to vector<1000x256xf32>
    %max3A_15 = arith.maximumf %add3A_13, %max3A_14 : vector<1000x256xf32>
    %get3A_16 = arith.constant 0 : index
    %get3A_17 = arith.constant 0 : index
    %get3A_18 = vector.load %arg5[%get3A_16, %get3A_17] : memref<1000x1xf32, #tpu.memory_space<vmem>>, vector<1000x1xf32>
    %get3A_19 = arith.constant 0 : index
    %get3A_20 = arith.constant 0 : index
    %get3A_21 = vector.load %arg4[%get3A_19, %get3A_20] : memref<256x256xf32, #tpu.memory_space<vmem>>, vector<256x256xf32>
    %dot_general3A_22 = arith.constant dense<0.000000e+00> : vector<1000x256xf32>
    %dot_general3A_23 = tpu.matmul %max3A_15, %get3A_21, %dot_general3A_22 {dimension_numbers = #tpu.dot_dimension_numbers<[1], [0], [0], [1], [0, 0, 1, 1], [], []>, transpose_lhs_hint = false} : vector<1000x256xf32>, vector<256x256xf32>, vector<1000x256xf32> -> vector<1000x256xf32>
    %mul3A = vector.broadcast %get3A_18 : vector<1000x1xf32> to vector<1000x256xf32>
    %mul3A_24 = arith.mulf %dot_general3A_23, %mul3A : vector<1000x256xf32>
    %slice3A = vector.extract_strided_slice %mul3A_24 {offsets = [0, 0], sizes = [1000, 128], strides = [1, 1]} : vector<1000x256xf32> to vector<1000x128xf32>
    %swap3A = arith.constant 0 : index
    %swap3A_25 = arith.constant 0 : index
    %swap3A_26 = arith.constant 0 : index
    %swap3A_27 = vector.load %arg6[%swap3A, %swap3A_25, %swap3A_26] : memref<2x1000x128xf32, #tpu.memory_space<vmem>>, vector<1x1000x128xf32>
    %swap3A_28 = vector.shape_cast %swap3A_27 : vector<1x1000x128xf32> to vector<1000x128xf32>
    %swap3A_29 = vector.shape_cast %slice3A : vector<1000x128xf32> to vector<1x1000x128xf32>
    tpu.vector_store %arg6[%swap3A, %swap3A_25, %swap3A_26], %swap3A_29 {strides = array<i32>} : memref<2x1000x128xf32, #tpu.memory_space<vmem>>, vector<1x1000x128xf32>,
    %slice3A_30 = vector.extract_strided_slice %mul3A_24 {offsets = [0, 128], sizes = [1000, 128], strides = [1, 1]} : vector<1000x256xf32> to vector<1000x128xf32>
    %swap3A_31 = arith.constant 1 : index
    %swap3A_32 = arith.constant 0 : index
    %swap3A_33 = arith.constant 0 : index
    %swap3A_34 = vector.load %arg6[%swap3A_31, %swap3A_32, %swap3A_33] : memref<2x1000x128xf32, #tpu.memory_space<vmem>>, vector<1x1000x128xf32>
    %swap3A_35 = vector.shape_cast %swap3A_34 : vector<1x1000x128xf32> to vector<1000x128xf32>
    %swap3A_36 = vector.shape_cast %slice3A_30 : vector<1000x128xf32> to vector<1x1000x128xf32>
    tpu.vector_store %arg6[%swap3A_31, %swap3A_32, %swap3A_33], %swap3A_36 {strides = array<i32>} : memref<2x1000x128xf32, #tpu.memory_space<vmem>>, vector<1x1000x128xf32>,
    return
  }
  func.func @transform_0(%arg0: i32) -> (i32, i32) {
    %c0_i32 = arith.constant 0 : i32
    %c0_i32_0 = arith.constant 0 : i32
    return %arg0, %c0_i32 : i32, i32
  }
  func.func @transform_1(%arg0: i32) -> (i32, i32, i32) {
    %jit3A = arith.constant 5 : i32
    %div3A = arith.divsi %arg0, %jit3A : i32
    %sign3A = arith.constant 0 : i32
    %sign3A_0 = arith.cmpi sgt, %arg0, %sign3A : i32
    %sign3A_1 = arith.extui %sign3A_0 : i1 to i32
    %sign3A_2 = arith.constant 0 : i32
    %sign3A_3 = arith.cmpi slt, %arg0, %sign3A_2 : i32
    %sign3A_4 = arith.extui %sign3A_3 : i1 to i32
    %sign3A_5 = arith.subi %sign3A_1, %sign3A_4 : i32
    %sign3A_6 = arith.constant 0 : i32
    %sign3A_7 = arith.cmpi sgt, %jit3A, %sign3A_6 : i32
    %sign3A_8 = arith.extui %sign3A_7 : i1 to i32
    %sign3A_9 = arith.constant 0 : i32
    %sign3A_10 = arith.cmpi slt, %jit3A, %sign3A_9 : i32
    %sign3A_11 = arith.extui %sign3A_10 : i1 to i32
    %sign3A_12 = arith.subi %sign3A_8, %sign3A_11 : i32
    %ne3A = arith.cmpi ne, %sign3A_5, %sign3A_12 : i32
    %rem3A = arith.remsi %arg0, %jit3A : i32
    %ne3A_13 = arith.constant 0 : i32
    %ne3A_14 = arith.cmpi ne, %rem3A, %ne3A_13 : i32
    %and3A = arith.andi %ne3A, %ne3A_14 : i1
    %sub3A = arith.constant 1 : i32
    %sub3A_15 = arith.subi %div3A, %sub3A : i32
    %select_n3A = arith.select %and3A, %sub3A_15, %div3A : i32
    %c0_i32 = arith.constant 0 : i32
    %c0_i32_16 = arith.constant 0 : i32
    %c0_i32_17 = arith.constant 0 : i32
    return %select_n3A, %c0_i32, %c0_i32_16 : i32, i32, i32
  }
  func.func @transform_2(%arg0: i32) -> (i32, i32, i32) {
    %jit3A = arith.constant 5 : i32
    %div3A = arith.divsi %arg0, %jit3A : i32
    %sign3A = arith.constant 0 : i32
    %sign3A_0 = arith.cmpi sgt, %arg0, %sign3A : i32
    %sign3A_1 = arith.extui %sign3A_0 : i1 to i32
    %sign3A_2 = arith.constant 0 : i32
    %sign3A_3 = arith.cmpi slt, %arg0, %sign3A_2 : i32
    %sign3A_4 = arith.extui %sign3A_3 : i1 to i32
    %sign3A_5 = arith.subi %sign3A_1, %sign3A_4 : i32
    %sign3A_6 = arith.constant 0 : i32
    %sign3A_7 = arith.cmpi sgt, %jit3A, %sign3A_6 : i32
    %sign3A_8 = arith.extui %sign3A_7 : i1 to i32
    %sign3A_9 = arith.constant 0 : i32
    %sign3A_10 = arith.cmpi slt, %jit3A, %sign3A_9 : i32
    %sign3A_11 = arith.extui %sign3A_10 : i1 to i32
    %sign3A_12 = arith.subi %sign3A_8, %sign3A_11 : i32
    %ne3A = arith.cmpi ne, %sign3A_5, %sign3A_12 : i32
    %rem3A = arith.remsi %arg0, %jit3A : i32
    %ne3A_13 = arith.constant 0 : i32
    %ne3A_14 = arith.cmpi ne, %rem3A, %ne3A_13 : i32
    %and3A = arith.andi %ne3A, %ne3A_14 : i1
    %sub3A = arith.constant 1 : i32
    %sub3A_15 = arith.subi %div3A, %sub3A : i32
    %select_n3A = arith.select %and3A, %sub3A_15, %div3A : i32
    %c0_i32 = arith.constant 0 : i32
    %c0_i32_16 = arith.constant 0 : i32
    %c0_i32_17 = arith.constant 0 : i32
    return %select_n3A, %c0_i32, %c0_i32_16 : i32, i32, i32
  }
  func.func @transform_3(%arg0: i32) -> (i32, i32) {
    %c0_i32 = arith.constant 0 : i32
    %c0_i32_0 = arith.constant 0 : i32
    %c0_i32_1 = arith.constant 0 : i32
    return %c0_i32, %c0_i32_0 : i32, i32
  }
  func.func @transform_4(%arg0: i32) -> (i32, i32) {
    %c0_i32 = arith.constant 0 : i32
    %c0_i32_0 = arith.constant 0 : i32
    return %arg0, %c0_i32 : i32, i32
  }
  func.func @transform_5(%arg0: i32) -> (i32, i32, i32) {
    %c0_i32 = arith.constant 0 : i32
    %c0_i32_0 = arith.constant 0 : i32
    %c0_i32_1 = arith.constant 0 : i32
    return %c0_i32, %arg0, %c0_i32_0 : i32, i32, i32
  }
}

module attributes {stable_mosaic.version = 14 : i64} {
  func.func @_mid_body(%arg0: i32, %arg1: memref<2x1000x128xf32, #tpu.memory_space<vmem>>, %arg2: memref<2x1000x128xf32, #tpu.memory_space<vmem>>, %arg3: memref<1000x1xf32, #tpu.memory_space<vmem>>, %arg4: memref<1x256xf32, #tpu.memory_space<vmem>>, %arg5: memref<256x256xf32, #tpu.memory_space<vmem>>, %arg6: memref<2x1000x128xf32, #tpu.memory_space<vmem>>) attributes {dimension_semantics = [#tpu.dimension_semantics<arbitrary>], iteration_bounds = array<i64: 10>, scalar_prefetch = 0 : i64, scratch_operands = 0 : i64, tpu.core_type = #tpu.core_type<tc>, window_params = [{transform_indices = @transform_0, window_bounds = array<i64: 2, 1000, 128>}, {transform_indices = @transform_1, window_bounds = array<i64: 2, 1000, 128>}, {transform_indices = @transform_2, window_bounds = array<i64: 1000, 1>}, {pipeline_mode = #tpu.pipeline_mode<synchronous>, transform_indices = @transform_3, window_bounds = array<i64: 1, 256>}, {pipeline_mode = #tpu.pipeline_mode<synchronous>, transform_indices = @transform_4, window_bounds = array<i64: 256, 256>}, {transform_indices = @transform_5, window_bounds = array<i64: 2, 1000, 128>}]} {
    %get3A = arith.constant 0 : index
    %get3A_0 = arith.constant 0 : index
    %get3A_1 = vector.load %arg3[%get3A, %get3A_0] : memref<1000x1xf32, #tpu.memory_space<vmem>>, vector<1000x1xf32>
    %get3A_2 = arith.constant 0 : index
    %get3A_3 = arith.constant 0 : index
    %get3A_4 = arith.constant 0 : index
    %get3A_5 = vector.load %arg1[%get3A_2, %get3A_3, %get3A_4] : memref<2x1000x128xf32, #tpu.memory_space<vmem>>, vector<1x1000x128xf32>
    %get3A_6 = vector.shape_cast %get3A_5 : vector<1x1000x128xf32> to vector<1000x128xf32>
    %get3A_7 = arith.constant 1 : index
    %get3A_8 = arith.constant 0 : index
    %get3A_9 = arith.constant 0 : index
    %get3A_10 = vector.load %arg1[%get3A_7, %get3A_8, %get3A_9] : memref<2x1000x128xf32, #tpu.memory_space<vmem>>, vector<1x1000x128xf32>
    %get3A_11 = vector.shape_cast %get3A_10 : vector<1x1000x128xf32> to vector<1000x128xf32>
    %concatenate3A = tpu.concatenate %get3A_6, %get3A_11 in 1 : vector<1000x128xf32>, vector<1000x128xf32> -> vector<1000x256xf32>
    %get3A_12 = arith.constant 0 : index
    %get3A_13 = arith.constant 0 : index
    %get3A_14 = arith.constant 0 : index
    %get3A_15 = vector.load %arg2[%get3A_12, %get3A_13, %get3A_14] : memref<2x1000x128xf32, #tpu.memory_space<vmem>>, vector<1x1000x128xf32>
    %get3A_16 = vector.shape_cast %get3A_15 : vector<1x1000x128xf32> to vector<1000x128xf32>
    %get3A_17 = arith.constant 1 : index
    %get3A_18 = arith.constant 0 : index
    %get3A_19 = arith.constant 0 : index
    %get3A_20 = vector.load %arg2[%get3A_17, %get3A_18, %get3A_19] : memref<2x1000x128xf32, #tpu.memory_space<vmem>>, vector<1x1000x128xf32>
    %get3A_21 = vector.shape_cast %get3A_20 : vector<1x1000x128xf32> to vector<1000x128xf32>
    %concatenate3A_22 = tpu.concatenate %get3A_16, %get3A_21 in 1 : vector<1000x128xf32>, vector<1000x128xf32> -> vector<1000x256xf32>
    %add3A = arith.addf %concatenate3A, %concatenate3A_22 : vector<1000x256xf32>
    %mul3A = vector.broadcast %get3A_1 : vector<1000x1xf32> to vector<1000x256xf32>
    %mul3A_23 = arith.mulf %mul3A, %add3A : vector<1000x256xf32>
    %get3A_24 = arith.constant 0 : index
    %get3A_25 = arith.constant 0 : index
    %get3A_26 = vector.load %arg4[%get3A_24, %get3A_25] : memref<1x256xf32, #tpu.memory_space<vmem>>, vector<1x256xf32>
    %add3A_27 = vector.broadcast %get3A_26 : vector<1x256xf32> to vector<1000x256xf32>
    %add3A_28 = arith.addf %mul3A_23, %add3A_27 : vector<1000x256xf32>
    %max3A = arith.constant 0.000000e+00 : f32
    %max3A_29 = vector.broadcast %max3A : f32 to vector<1000x256xf32>
    %max3A_30 = arith.maximumf %add3A_28, %max3A_29 : vector<1000x256xf32>
    %get3A_31 = arith.constant 0 : index
    %get3A_32 = arith.constant 0 : index
    %get3A_33 = vector.load %arg5[%get3A_31, %get3A_32] : memref<256x256xf32, #tpu.memory_space<vmem>>, vector<256x256xf32>
    %dot_general3A = arith.constant dense<0.000000e+00> : vector<1000x256xf32>
    %dot_general3A_34 = tpu.matmul %max3A_30, %get3A_33, %dot_general3A {dimension_numbers = #tpu.dot_dimension_numbers<[1], [0], [0], [1], [0, 0, 1, 1], [], []>, transpose_lhs_hint = false} : vector<1000x256xf32>, vector<256x256xf32>, vector<1000x256xf32> -> vector<1000x256xf32>
    %mul3A_35 = vector.broadcast %get3A_1 : vector<1000x1xf32> to vector<1000x256xf32>
    %mul3A_36 = arith.mulf %dot_general3A_34, %mul3A_35 : vector<1000x256xf32>
    %slice3A = vector.extract_strided_slice %mul3A_36 {offsets = [0, 0], sizes = [1000, 128], strides = [1, 1]} : vector<1000x256xf32> to vector<1000x128xf32>
    %swap3A = arith.constant 0 : index
    %swap3A_37 = arith.constant 0 : index
    %swap3A_38 = arith.constant 0 : index
    %swap3A_39 = vector.load %arg6[%swap3A, %swap3A_37, %swap3A_38] : memref<2x1000x128xf32, #tpu.memory_space<vmem>>, vector<1x1000x128xf32>
    %swap3A_40 = vector.shape_cast %swap3A_39 : vector<1x1000x128xf32> to vector<1000x128xf32>
    %swap3A_41 = vector.shape_cast %slice3A : vector<1000x128xf32> to vector<1x1000x128xf32>
    tpu.vector_store %arg6[%swap3A, %swap3A_37, %swap3A_38], %swap3A_41 {strides = array<i32>} : memref<2x1000x128xf32, #tpu.memory_space<vmem>>, vector<1x1000x128xf32>,
    %slice3A_42 = vector.extract_strided_slice %mul3A_36 {offsets = [0, 128], sizes = [1000, 128], strides = [1, 1]} : vector<1000x256xf32> to vector<1000x128xf32>
    %swap3A_43 = arith.constant 1 : index
    %swap3A_44 = arith.constant 0 : index
    %swap3A_45 = arith.constant 0 : index
    %swap3A_46 = vector.load %arg6[%swap3A_43, %swap3A_44, %swap3A_45] : memref<2x1000x128xf32, #tpu.memory_space<vmem>>, vector<1x1000x128xf32>
    %swap3A_47 = vector.shape_cast %swap3A_46 : vector<1x1000x128xf32> to vector<1000x128xf32>
    %swap3A_48 = vector.shape_cast %slice3A_42 : vector<1000x128xf32> to vector<1x1000x128xf32>
    tpu.vector_store %arg6[%swap3A_43, %swap3A_44, %swap3A_45], %swap3A_48 {strides = array<i32>} : memref<2x1000x128xf32, #tpu.memory_space<vmem>>, vector<1x1000x128xf32>,
    return
  }
  func.func @transform_0(%arg0: i32) -> (i32, i32, i32) {
    %c0_i32 = arith.constant 0 : i32
    %c0_i32_0 = arith.constant 0 : i32
    %c0_i32_1 = arith.constant 0 : i32
    return %c0_i32, %arg0, %c0_i32_0 : i32, i32, i32
  }
  func.func @transform_1(%arg0: i32) -> (i32, i32, i32) {
    %c0_i32 = arith.constant 0 : i32
    %c0_i32_0 = arith.constant 0 : i32
    %c0_i32_1 = arith.constant 0 : i32
    return %c0_i32, %arg0, %c0_i32_0 : i32, i32, i32
  }
  func.func @transform_2(%arg0: i32) -> (i32, i32) {
    %c0_i32 = arith.constant 0 : i32
    %c0_i32_0 = arith.constant 0 : i32
    return %arg0, %c0_i32 : i32, i32
  }
  func.func @transform_3(%arg0: i32) -> (i32, i32) {
    %c0_i32 = arith.constant 0 : i32
    %c0_i32_0 = arith.constant 0 : i32
    %c0_i32_1 = arith.constant 0 : i32
    return %c0_i32, %c0_i32_0 : i32, i32
  }
  func.func @transform_4(%arg0: i32) -> (i32, i32) {
    %c0_i32 = arith.constant 0 : i32
    %c0_i32_0 = arith.constant 0 : i32
    %c0_i32_1 = arith.constant 0 : i32
    return %c0_i32, %c0_i32_0 : i32, i32
  }
  func.func @transform_5(%arg0: i32) -> (i32, i32, i32) {
    %c0_i32 = arith.constant 0 : i32
    %c0_i32_0 = arith.constant 0 : i32
    %c0_i32_1 = arith.constant 0 : i32
    return %c0_i32, %arg0, %c0_i32_0 : i32, i32, i32
  }
}

module attributes {stable_mosaic.version = 14 : i64} {
  func.func @_fin_body(%arg0: i32, %arg1: memref<2x1000x128xf32, #tpu.memory_space<vmem>>, %arg2: memref<2x1000x128xf32, #tpu.memory_space<vmem>>, %arg3: memref<1000x1xf32, #tpu.memory_space<vmem>>, %arg4: memref<1x256xf32, #tpu.memory_space<vmem>>, %arg5: memref<256x128xf32, #tpu.memory_space<vmem>>, %arg6: memref<1x128xf32, #tpu.memory_space<vmem>>, %arg7: memref<1000x128xf32, #tpu.memory_space<vmem>>) attributes {dimension_semantics = [#tpu.dimension_semantics<arbitrary>], iteration_bounds = array<i64: 5>, scalar_prefetch = 0 : i64, scratch_operands = 0 : i64, tpu.core_type = #tpu.core_type<tc>, window_params = [{transform_indices = @transform_0, window_bounds = array<i64: 2, 1000, 128>}, {transform_indices = @transform_1, window_bounds = array<i64: 2, 1000, 128>}, {transform_indices = @transform_2, window_bounds = array<i64: 1000, 1>}, {pipeline_mode = #tpu.pipeline_mode<synchronous>, transform_indices = @transform_3, window_bounds = array<i64: 1, 256>}, {pipeline_mode = #tpu.pipeline_mode<synchronous>, transform_indices = @transform_4, window_bounds = array<i64: 256, 128>}, {pipeline_mode = #tpu.pipeline_mode<synchronous>, transform_indices = @transform_5, window_bounds = array<i64: 1, 128>}, {transform_indices = @transform_6, window_bounds = array<i64: 1000, 128>}]} {
    %get3A = arith.constant 0 : index
    %get3A_0 = arith.constant 0 : index
    %get3A_1 = vector.load %arg3[%get3A, %get3A_0] : memref<1000x1xf32, #tpu.memory_space<vmem>>, vector<1000x1xf32>
    %get3A_2 = arith.constant 0 : index
    %get3A_3 = arith.constant 0 : index
    %get3A_4 = arith.constant 0 : index
    %get3A_5 = vector.load %arg1[%get3A_2, %get3A_3, %get3A_4] : memref<2x1000x128xf32, #tpu.memory_space<vmem>>, vector<1x1000x128xf32>
    %get3A_6 = vector.shape_cast %get3A_5 : vector<1x1000x128xf32> to vector<1000x128xf32>
    %get3A_7 = arith.constant 1 : index
    %get3A_8 = arith.constant 0 : index
    %get3A_9 = arith.constant 0 : index
    %get3A_10 = vector.load %arg1[%get3A_7, %get3A_8, %get3A_9] : memref<2x1000x128xf32, #tpu.memory_space<vmem>>, vector<1x1000x128xf32>
    %get3A_11 = vector.shape_cast %get3A_10 : vector<1x1000x128xf32> to vector<1000x128xf32>
    %concatenate3A = tpu.concatenate %get3A_6, %get3A_11 in 1 : vector<1000x128xf32>, vector<1000x128xf32> -> vector<1000x256xf32>
    %get3A_12 = arith.constant 0 : index
    %get3A_13 = arith.constant 0 : index
    %get3A_14 = arith.constant 0 : index
    %get3A_15 = vector.load %arg2[%get3A_12, %get3A_13, %get3A_14] : memref<2x1000x128xf32, #tpu.memory_space<vmem>>, vector<1x1000x128xf32>
    %get3A_16 = vector.shape_cast %get3A_15 : vector<1x1000x128xf32> to vector<1000x128xf32>
    %get3A_17 = arith.constant 1 : index
    %get3A_18 = arith.constant 0 : index
    %get3A_19 = arith.constant 0 : index
    %get3A_20 = vector.load %arg2[%get3A_17, %get3A_18, %get3A_19] : memref<2x1000x128xf32, #tpu.memory_space<vmem>>, vector<1x1000x128xf32>
    %get3A_21 = vector.shape_cast %get3A_20 : vector<1x1000x128xf32> to vector<1000x128xf32>
    %concatenate3A_22 = tpu.concatenate %get3A_16, %get3A_21 in 1 : vector<1000x128xf32>, vector<1000x128xf32> -> vector<1000x256xf32>
    %add3A = arith.addf %concatenate3A, %concatenate3A_22 : vector<1000x256xf32>
    %mul3A = vector.broadcast %get3A_1 : vector<1000x1xf32> to vector<1000x256xf32>
    %mul3A_23 = arith.mulf %mul3A, %add3A : vector<1000x256xf32>
    %get3A_24 = arith.constant 0 : index
    %get3A_25 = arith.constant 0 : index
    %get3A_26 = vector.load %arg4[%get3A_24, %get3A_25] : memref<1x256xf32, #tpu.memory_space<vmem>>, vector<1x256xf32>
    %add3A_27 = vector.broadcast %get3A_26 : vector<1x256xf32> to vector<1000x256xf32>
    %add3A_28 = arith.addf %mul3A_23, %add3A_27 : vector<1000x256xf32>
    %max3A = arith.constant 0.000000e+00 : f32
    %max3A_29 = vector.broadcast %max3A : f32 to vector<1000x256xf32>
    %max3A_30 = arith.maximumf %add3A_28, %max3A_29 : vector<1000x256xf32>
    %get3A_31 = arith.constant 0 : index
    %get3A_32 = arith.constant 0 : index
    %get3A_33 = vector.load %arg5[%get3A_31, %get3A_32] : memref<256x128xf32, #tpu.memory_space<vmem>>, vector<256x128xf32>
    %dot_general3A = arith.constant dense<0.000000e+00> : vector<1000x128xf32>
    %dot_general3A_34 = tpu.matmul %max3A_30, %get3A_33, %dot_general3A {dimension_numbers = #tpu.dot_dimension_numbers<[1], [0], [0], [1], [0, 0, 1, 1], [], []>, transpose_lhs_hint = false} : vector<1000x256xf32>, vector<256x128xf32>, vector<1000x128xf32> -> vector<1000x128xf32>
    %get3A_35 = arith.constant 0 : index
    %get3A_36 = arith.constant 0 : index
    %get3A_37 = vector.load %arg6[%get3A_35, %get3A_36] : memref<1x128xf32, #tpu.memory_space<vmem>>, vector<1x128xf32>
    %add3A_38 = vector.broadcast %get3A_37 : vector<1x128xf32> to vector<1000x128xf32>
    %add3A_39 = arith.addf %dot_general3A_34, %add3A_38 : vector<1000x128xf32>
    %swap3A = arith.constant 0 : index
    %swap3A_40 = arith.constant 0 : index
    %swap3A_41 = vector.load %arg7[%swap3A, %swap3A_40] : memref<1000x128xf32, #tpu.memory_space<vmem>>, vector<1000x128xf32>
    tpu.vector_store %arg7[%swap3A, %swap3A_40], %add3A_39 {strides = array<i32>} : memref<1000x128xf32, #tpu.memory_space<vmem>>, vector<1000x128xf32>,
    return
  }
  func.func @transform_0(%arg0: i32) -> (i32, i32, i32) {
    %c0_i32 = arith.constant 0 : i32
    %c0_i32_0 = arith.constant 0 : i32
    %c0_i32_1 = arith.constant 0 : i32
    return %c0_i32, %arg0, %c0_i32_0 : i32, i32, i32
  }
  func.func @transform_1(%arg0: i32) -> (i32, i32, i32) {
    %c0_i32 = arith.constant 0 : i32
    %c0_i32_0 = arith.constant 0 : i32
    %c0_i32_1 = arith.constant 0 : i32
    return %c0_i32, %arg0, %c0_i32_0 : i32, i32, i32
  }
  func.func @transform_2(%arg0: i32) -> (i32, i32) {
    %c0_i32 = arith.constant 0 : i32
    %c0_i32_0 = arith.constant 0 : i32
    return %arg0, %c0_i32 : i32, i32
  }
  func.func @transform_3(%arg0: i32) -> (i32, i32) {
    %c0_i32 = arith.constant 0 : i32
    %c0_i32_0 = arith.constant 0 : i32
    %c0_i32_1 = arith.constant 0 : i32
    return %c0_i32, %c0_i32_0 : i32, i32
  }
  func.func @transform_4(%arg0: i32) -> (i32, i32) {
    %c0_i32 = arith.constant 0 : i32
    %c0_i32_0 = arith.constant 0 : i32
    %c0_i32_1 = arith.constant 0 : i32
    return %c0_i32, %c0_i32_0 : i32, i32
  }
  func.func @transform_5(%arg0: i32) -> (i32, i32) {
    %c0_i32 = arith.constant 0 : i32
    %c0_i32_0 = arith.constant 0 : i32
    %c0_i32_1 = arith.constant 0 : i32
    return %c0_i32, %c0_i32_0 : i32, i32
  }
  func.func @transform_6(%arg0: i32) -> (i32, i32) {
    %c0_i32 = arith.constant 0 : i32
    %c0_i32_0 = arith.constant 0 : i32
    return %arg0, %c0_i32 : i32, i32
  }
}

</mosaic_0001>

<sc_bundles>
// kernel: kernel.12.cloned.1.call-start
scs
__scs_entry_jumppad:
0x0: {  	(pc) =	sbr.rel $0x88, $3  }
0x1: {  	(tag) =	ssettag $0x0;
	lr =	simm.s32 $0x1  }
0x2: {  	[smem:$0x3F94] =	sst lr;
	_ =	strace $0xD0000000  }
0x3: {  	_ = 	snop  }
0x4: {  	_ = 	snop  }
0x5: {  	_ = 	snop  }
0x6: {  	_ = 	snop  }
0x7: {  	_ = 	snop  }
__scs_overlays_trampoline_lowered:
0x8: {  	[smem:$0x3FA3] =	sst s0  }
0x9: {  	[smem:$0x3FA4] =	sst s1  }
0xa: {  	[smem:$0x3FA5] =	sst s2  }
0xb: {  	[smem:$0x3FA6] =	sst s3  }
0xc: {  	[smem:$0x3FA7] =	sst s4  }
0xd: {  	[smem:$0x3FA8] =	sst s5  }
0xe: {  	[smem:$0x3FA9] =	sst s6  }
0xf: {  	[smem:$0x3FAA] =	sst s7  }
0x10: {  	[smem:$0x3FAB] =	sst s8  }
0x11: {  	[smem:$0x3FAC] =	sst s9;
	s0 =	simm.s32 @!p0 $0x0  }
0x12: {  	s1 =	sld [smem:$0x3F92];
	s0 =	simm.s32 @p0 $0x1  }
0x13: {  	[smem:$0x3FAD] =	sst s0;
	s0 =	simm.s32 @!p1 $0x0  }
0x14: {  	s2 =	sld [smem:$0x3F91];
	s0 =	simm.s32 @p1 $0x1  }
0x15: {  	[smem:$0x3FAE] =	sst s0;
	s0 =	simm.s32 @!p2 $0x0  }
0x16: {  	s3 =	sld [smem:$0x3FDB];
	s0 =	simm.s32 @p2 $0x1  }
0x17: {  	s4 =	simm.s32 $0x1BF5;
	[smem:$0x3FB0] =	sst s0  }
0x18: {  	s0 =	sld [smem:$0x3F93];
	_ =	swait.ge [sflag:s4], $0x0  }
0x19: {  	s7 =	sld [smem:$0x3F94]  }
0x1a: {  	s8 =	sadd.s32 $0xFFFFE003, lr  }
0x1b: {  	s9 =	sadd.s32 $0xFFFFFEF7, lr;
	s5 =	simm.s32 $0xFFFFFFFF;
	p2 =	slt.u32 s8, $0xFFFFF086  }
0x1c: {  	p1 =	slt.u32 s9, $0xF7A;
	s5 =	simm.s32 @!p2 $0x0  }
0x1d: {  	s5 =	simm.s32 @p1 $0x1;
	p0 =	seq.s32 s7, s2  }
0x1e: {  	s7 =	smul.u32 @!p0 $0xF7A, s2;
	p2 =	seq.s32 @!p0 s5, $0x0  }
0x1f: {  	s9 =	smul.u32 $0xF7A, s1;
	s8 =	simm.s32 @!p0 $0x1BF5;
	p2 =	por !p2, p0  }
0x20: {  	[sflag:s8] =	ssyncset.s32 @!p0 $0xFFFFF086;
	s6 =	sadd.s32 @!p0 s3, s7;
	s7 =	simm.s32 @!p0 $0x108  }
0x21: {  	s3 =	sadd.s32 s3, s9;
	s6 =	sadd.s32 @!p0 $0x88, s6;
	s7 =	simm.s32 @p2 $0x1082  }
0x22: {  	[simem:s7], [sflag:s8] =	dma.local @!p0 [hbm:s6], $0xF7A  }
0x23: {  	s9 =	sor.u32 $0xD0000000, s2;
	s6 =	simm.s32 $0x108;
	_ =	swait.ge @!p0 [sflag:s8], $0x0  }
0x24: {  	s3 =	sadd.s32 $0x88, s3;
	s6 =	simm.s32 @!p1 $0x1082;
	[sflag:s4] =	ssyncset.s32 $0xFFFFF086  }
0x25: {  	[simem:s6], [sflag:s4] =	dma.local [hbm:s3], $0xF7A  }
0x26: {  	[smem:$0x3F94] =	sst s1;
	(tag) =	ssettag s2;
	_ =	strace s9  }
0x27: {  	s1 =	sld [smem:$0x3FA4]  }
0x28: {  	s2 =	sld [smem:$0x3FA5]  }
0x29: {  	s4 =	sld [smem:$0x3FA7]  }
0x2a: {  	p0 =	seq.s32 s5, $0x0;
	s5 =	sld [smem:$0x3FA8]  }
0x2b: {  	s6 =	sld [smem:$0x3FA9]  }
0x2c: {  	s7 =	sld [smem:$0x3FAA]  }
0x2d: {  	s3 =	simm.s32 $0x108;
	s8 =	sld [smem:$0x3FAB]  }
0x2e: {  	s3 =	simm.s32 @!p0 $0x1082;
	s9 =	sld [smem:$0x3FAC]  }
0x2f: {  	lr =	sadd.s32 s0, s3;
	s0 =	sld [smem:$0x3FA3]  }
0x30: {  	s3 =	sld [smem:$0x3FA6]  }
0x31: {  	[smem:$0x3FAF] =	sst s10  }
0x32: {  	s10 =	sld [smem:$0x3FAD];
	_ =	sdelay $0x3  }
0x33: {  	p0 =	seq.s32 s10, $0x1;
	s10 =	sld [smem:$0x3FAF];
	_ =	sdelay $0x3  }
0x34: {  	[smem:$0x3FAF] =	sst s10  }
0x35: {  	s10 =	sld [smem:$0x3FAE];
	_ =	sdelay $0x3  }
0x36: {  	p1 =	seq.s32 s10, $0x1;
	s10 =	sld [smem:$0x3FAF];
	_ =	sdelay $0x3  }
0x37: {  	[smem:$0x3FAF] =	sst s10  }
0x38: {  	s10 =	sld [smem:$0x3FB0]  }
0x39: {  	_ = 	snop;
	(pc) =	sbr.ind lr, $3  }
0x3a: {  	_ = 	snop  }
0x3b: {  	_ = 	snop  }
0x3c: {  	p2 =	seq.s32 s10, $0x1;
	s10 =	sld [smem:$0x3FAF]  }
0x3d: {  	_ =	shalt  }
0x3e: {  	_ =	shalt  }
0x3f: {  	_ =	shalt  }
0x40: {  	_ =	shalt  }
0x41: {  	_ =	shalt  }
0x42: {  	_ =	shalt  }
0x43: {  	_ =	shalt  }
0x44: {  	_ =	shalt  }
0x45: {  	_ =	shalt  }
0x46: {  	_ =	shalt  }
0x47: {  	_ =	shalt  }
0x48: {  	_ =	shalt  }
0x49: {  	_ =	shalt  }
0x4a: {  	_ =	shalt  }
0x4b: {  	_ =	shalt  }
0x4c: {  	_ =	shalt  }
0x4d: {  	_ =	shalt  }
0x4e: {  	_ =	shalt  }
0x4f: {  	_ =	shalt  }
0x50: {  	_ =	shalt  }
0x51: {  	_ =	shalt  }
0x52: {  	_ =	shalt  }
0x53: {  	_ =	shalt  }
0x54: {  	_ =	shalt  }
0x55: {  	_ =	shalt  }
0x56: {  	_ =	shalt  }
0x57: {  	_ =	shalt  }
0x58: {  	_ =	shalt  }
0x59: {  	_ =	shalt  }
0x5a: {  	_ =	shalt  }
0x5b: {  	_ =	shalt  }
0x5c: {  	_ =	shalt  }
0x5d: {  	_ =	shalt  }
0x5e: {  	_ =	shalt  }
0x5f: {  	_ =	shalt  }
0x60: {  	_ =	shalt  }
0x61: {  	_ =	shalt  }
0x62: {  	_ =	shalt  }
0x63: {  	_ =	shalt  }
0x64: {  	_ =	shalt  }
0x65: {  	_ =	shalt  }
0x66: {  	_ =	shalt  }
0x67: {  	_ =	shalt  }
0x68: {  	_ =	shalt  }
0x69: {  	_ =	shalt  }
0x6a: {  	_ =	shalt  }
0x6b: {  	_ =	shalt  }
0x6c: {  	_ =	shalt  }
0x6d: {  	_ =	shalt  }
0x6e: {  	_ =	shalt  }
0x6f: {  	_ =	shalt  }
0x70: {  	_ =	shalt  }
0x71: {  	_ =	shalt  }
0x72: {  	_ =	shalt  }
0x73: {  	_ =	shalt  }
0x74: {  	_ =	shalt  }
0x75: {  	_ =	shalt  }
0x76: {  	_ =	shalt  }
0x77: {  	_ =	shalt  }
0x78: {  	_ =	shalt  }
0x79: {  	_ =	shalt  }
0x7a: {  	_ =	shalt  }
0x7b: {  	_ =	shalt  }
0x7c: {  	_ =	shalt  }
0x7d: {  	_ =	shalt  }
0x7e: {  	_ =	shalt  }
0x7f: {  	_ =	shalt  }
0x80: {  	_ =	shalt  }
0x81: {  	_ =	shalt  }
0x82: {  	_ =	shalt  }
0x83: {  	_ =	shalt  }
0x84: {  	_ =	shalt  }
0x85: {  	_ =	shalt  }
0x86: {  	_ =	shalt  }
0x87: {  	_ =	shalt  }
.Lfunc_end0:
.L_simem_size_0:
called_computation.1_lowered:
.L_overlay_start_0:
0x88: {  	s2 =	sld [smem:$0x3FD9]  }
0x89: {  	s3 =	sld [smem:$0x3FFE];
	_ =	sdelay $0x1  }
0x8a: {  	s1 =	srdreg.scid  }
0x8b: {  	s0 =	sand.u32 $0x1, s1  }
0x8c: {  	s17 =	sshll.u32 s0, $0xA;
	s2 =	sadd.s32 s3, s2  }
0x8d: {  	s2 =	sadd.s32 s2, s17  }
0x8e: {  	[smem:$0x3FBB] =	sst s2  }
0x8f: {  	_ = 	snop  }
0x90: {  	s2 =	sld [smem:$0x3FD0];
	(tm) =	ssettm $0x1  }
0x91: {  	s18 =	sld [smem:$0x3FFB];
	_ =	sdelay $0x3  }
0x92: {  	_ =	strace s18  }
0x93: {  	s3 =	sld [smem:$0x3FFC];
	_ =	sdelay $0x3  }
0x94: {  	_ =	strace s3  }
0x95: {  	s3 =	sld [smem:$0x3FFD];
	_ =	sdelay $0x3  }
0x96: {  	_ =	strace s3  }
0x97: {  	_ =	strace $0x8FFFFFFF  }
0x98: {  	s19 =	sld [smem:$0x3FDB];
	_ =	sdelay $0x1  }
0x99: {  	s4 =	simm.s32 $_scs_section_size  }
0x9a: {  	s5 =	simm.s32 $_size__tile_overlayer_lowered;
	s6 =	simm.s32 $_tile_overlayer_lowered  }
0x9b: {  	s22 =	simm.s32 $0x1BFF;
	s21 =	sshll.u32 s6, $0x1;
	s3 =	sadd.s32 s4, s19  }
0x9c: {  	s7 =	simm.s32 $0x0;
	s20 =	sshll.u32 s5, $0x1;
	s5 =	sadd.s32 s21, s3  }
0x9d: {  	[timem:s7], [sflag:s22] =	dma.local [hbm:s5], s20  }
0x9e: {  	_ =	swait.ge [sflag:s22], s20  }
0x9f: {  	s4 =	ssub.s32 $0x0, s20;
	[sflag:s22] =	ssyncset.done $0x0  }
0xa0: {  	[sflag:s22] =	ssyncadd.s32 s4;
	_ =	sdelay $0x1  }
0xa1: {  	s23 =	simm.s32 $0x1B8B  }
0xa2: {  	_ =	swait.ge [sflag:s23], $0x1  }
0xa3: {  	[sflag:s23] =	ssyncset.done $0x0  }
0xa4: {  	s25 =	simm.s32 $0x1B8E;
	s24 =	sld [smem:$0x3FFE];
	[sflag:s23] =	ssyncadd.s32 $0xFFFFFFFF  }
0xa5: {  	s26 =	simm.s32 $execute0_lowered;
	[smem:$0x3FD2] =	sst s25  }
0xa6: {  	s5 =	sshll.u32 s26, $0x1;
	_ =	strace $0x80000049;
	[dreg:$0x1] =	wrdreg $0xFFFFFFFF  }
0xa7: {  	s28 =	simm.s32 $_size_execute0_lowered;
	s3 =	sadd.s32 s3, s5;
	[dreg:$0x0] =	wrdreg $0x0  }
0xa8: {  	s5 =	sshll.u32 s28, $0x1;
	[dreg:$0x2] =	wrdreg s3  }
0xa9: {  	[dreg:$0x3] =	wrdreg s5  }
0xaa: {  	[dreg:$0x4] =	wrdreg $0xC0  }
0xab: {  	_ =	task [dreg:s7], $0x5FFFF  }
0xac: {  	[dreg:$0x1] =	wrdreg $0xFFFFFFFF  }
0xad: {  	[dreg:$0x0] =	wrdreg $0x60  }
0xae: {  	[dreg:$0x2] =	wrdreg s24  }
0xaf: {  	[dreg:$0x3] =	wrdreg s2  }
0xb0: {  	[dreg:$0x4] =	wrdreg $0x90000  }
0xb1: {  	[dreg:$0x5] =	wrdreg $0x9  }
0xb2: {  	_ =	task.clear_ibuf [dreg:s7], $0x6FFFF;
	_ =	strace $0x90000049  }
0xb3: {  	s29 =	simm.s32 $0x9;
	_ =	strace $0x8000004B  }
0xb4: {  	_ =	swait.ge [sflag:s29], $0x1  }
0xb5: {  	[sflag:s29] =	ssyncadd.s32 $0xFFFFFFFF  }
0xb6: {  	_ =	strace $0x9000004B  }
0xb7: {  	_ =	sfence  }
0xb8: {  	s30 =	sld [smem:$0x0];
	_ =	sdelay $0x2  }
0xb9: {  	s31 =	sshll.u32 s1, $0xD;
	s1 =	sshrl.u32 s1, $0x2  }
0xba: {  	s3 =	sand.u32 $0x4000, s31;
	s1 =	sadd.s32 s1, s30  }
0xbb: {  	s0 =	sor.u32 s3, s0;
	s1 =	sshll.u32 s1, $0x11  }
0xbc: {  	s0 =	sor.u32 s1, s0  }
0xbd: {  	s0 =	sadd.s32 $0x8F2B, s0  }
0xbe: {  	[sflag:s0] =	ssyncadd.remote.s32 $0x1  }
0xbf: {  	_ =	sfence.sel $0xFFFF  }
0xc0: {  	[dreg:$0x0] =	wrdreg $0xFFFFFFFF;
	(pc) =	sbr.abs _section_cstart, $3  }
0xc1: {  	[dreg:$0x1] =	wrdreg $0xFFFFFFFF  }
0xc2: {  	_ =	task.clear_ibuf [dreg:s7], $0x2FFFF;
	_ =	strace $0x9FFFFFFF  }
0xc3: {  	(tm) =	ssettm $0x7FFFFFFF  }
tec
execute0_lowered:
.L_overlay_start_1:
0x0: {  	(tag) =	ssettag $0x1  }
0x1: {  	s4 =	rddreg [dreg:$0x0]  }
0x2: {  	s6 =	rddreg [dreg:$0x1];
	s0 =	srdreg.scid  }
0x3: {  	s1 =	rddreg [dreg:$0x2];
	s3 =	simm.s32 $0x0;
	s2 =	stileid.u32  }
0x4: {  	s14 =	simm.s32 $0x5000;
	s15 =	simm.s32 $0x2;
	s9 =	smul.u32 $0x14000, s2  }
0x5: {  	s16 =	simm.s32 $0x2800;
	s17 =	simm.s32 $0x80;
	s10 =	smul.u32 $0x500, s2  }
0x6: {  	s5 =	sand.u32 $0x1, s0;
	s0 =	rddreg [dreg:$0x3];
	s30 =	smul.u32 $0x50000, s2  }
0x7: {  	s18 =	simm.s32 $0x1;
	[smem:$0x7FF] =	sst s3;
	s7 =	smul.u32 $0x27100, s5  }
0x8: {  	s19 =	sshll.u32 s2, $0x6;
	s8 =	smul.u32 $0x140000, s5;
	_ =	strace $0x8000004A  }
0x9: {  	s5 =	ssub.s32 $0x2, s5;
	s19 =	sor.u32 $0x1C02, s19;
	s11 =	sadd.s32 s10, s4  }
0xa: {  	s12 =	sshrl.u32 s5, $0x1;
	s31 =	sshrl.u32 s30, $0x2;
	s6 =	sadd.s32 s6, s10  }
0xb: {  	s7 =	sadd.s32 s7, s4;
	s8 =	sadd.s32 s9, s8;
	s12 =	ssub.s32 s5, s12  }
0xc: {  	s5 =	sadd.s32 $0x2B000, s11;
	s8 =	sshrl.u32 s8, $0x3;
	s7 =	sadd.s32 $0x30000, s7  }
0xd: {  	s9 =	smax.u32 s12, $0x1;
	s8 =	sadd.s32 s8, s4;
	s4 =	sadd.s32 s31, s1  }
0xe: {  	s8 =	sadd.s32 $0x7E200, s8;
	s10 =	sadd.s32 $0x4000, s4;
	s11 =	sadd.s32 $0x8000, s4  }
0xf: {  	v0 =	vimm.f32 $0.0e+00;
	s12 =	sadd.s32 $0xC000, s4;
	s13 =	sadd.s32 $0x10000, s4;
	s20 =	sshrl.u32 s4, $0x3  }
.LBB2_1:
0x10: {  	s21 =	simm.s32 $0x0;
	s22 =	simm.s32 $0x200  }
.LBB2_2:
0x11: {  	p0 =	sne.s32 s22, $0xFE00;
	[tilespmem:s21+$0x5070] =	vst v0  }
0x12: {  	[tilespmem:s21+$0x5000] =	vst v0  }
0x13: {  	[tilespmem:s21+$0x5010] =	vst v0  }
.Ltmp0:
0x14: {  	[tilespmem:s21+$0x5020] =	vst v0;
	(pc) =	sbr.rel @p0 .LBB2_2-.Ltmp0, $4  }
0x15: {  	[tilespmem:s21+$0x5030] =	vst v0  }
0x16: {  	[tilespmem:s21+$0x5040] =	vst v0  }
0x17: {  	[tilespmem:s21+$0x5050] =	vst v0  }
0x18: {  	[tilespmem:s21+$0x5060] =	vst v0;
	s21 =	sshra.s32 s22, $0x2;
	s22 =	sadd.s32 $0x200, s22  }
0x19: {  	[tilespmem:s21+$0x5070] =	vst v0  }
0x1a: {  	[tilespmem:s21+$0x5000] =	vst v0  }
0x1b: {  	[tilespmem:s21+$0x5010] =	vst v0  }
0x1c: {  	[tilespmem:s21+$0x5020] =	vst v0  }
0x1d: {  	[tilespmem:s21+$0x5030] =	vst v0  }
0x1e: {  	[tilespmem:s21+$0x5040] =	vst v0  }
0x1f: {  	[tilespmem:s21+$0x5050] =	vst v0  }
0x20: {  	[tilespmem:s21+$0x5060] =	vst v0  }
0x21: {  	[spmem:s4] =	stream.linear.scatter [tilespmem:s14], [sflag:$0x2], $0x4000, $0x38;
	[tilespmem:$0x1D000] =	vst v63  }
0x22: {  	_ =	swait.ge [sflag:s15], $0x4000  }
0x23: {  	[sflag:s15] =	ssyncset.done $0x0  }
0x24: {  	[sflag:s15] =	ssyncadd.s32 $0xFFFFC000  }
0x25: {  	[spmem:s10] =	stream.linear.scatter [tilespmem:s14], [sflag:$0x2], $0x4000, $0x38;
	[tilespmem:$0x1D000] =	vst v63  }
0x26: {  	_ =	swait.ge [sflag:s15], $0x4000  }
0x27: {  	[sflag:s15] =	ssyncset.done $0x0  }
0x28: {  	[sflag:s15] =	ssyncadd.s32 $0xFFFFC000  }
0x29: {  	[spmem:s11] =	stream.linear.scatter [tilespmem:s14], [sflag:$0x2], $0x4000, $0x38;
	[tilespmem:$0x1D000] =	vst v63  }
0x2a: {  	_ =	swait.ge [sflag:s15], $0x4000  }
0x2b: {  	[sflag:s15] =	ssyncset.done $0x0  }
0x2c: {  	[sflag:s15] =	ssyncadd.s32 $0xFFFFC000  }
0x2d: {  	[spmem:s12] =	stream.linear.scatter [tilespmem:s14], [sflag:$0x2], $0x4000, $0x38;
	[tilespmem:$0x1D000] =	vst v63  }
0x2e: {  	_ =	swait.ge [sflag:s15], $0x4000  }
0x2f: {  	[sflag:s15] =	ssyncset.done $0x0  }
0x30: {  	[sflag:s15] =	ssyncadd.s32 $0xFFFFC000  }
0x31: {  	[spmem:s13] =	stream.linear.scatter [tilespmem:s14], [sflag:$0x2], $0x4000, $0x38;
	[tilespmem:$0x1D000] =	vst v63  }
0x32: {  	_ =	swait.ge [sflag:s15], $0x4000  }
0x33: {  	[sflag:s15] =	ssyncset.done $0x0  }
0x34: {  	s29 =	simm.s32 $0x0;
	[sflag:s15] =	ssyncadd.s32 $0xFFFFC000  }
0x35: {  	[tilespmem:s29], [sflag:$0x2] =	stream.linear.gather [hbm4b:s5+s29], $0x2800, $0x38;
	[tilespmem:$0x1D000] =	vst v63  }
0x36: {  	_ =	swait.ge [sflag:s15], $0x2800  }
0x37: {  	[sflag:s15] =	ssyncset.done $0x0  }
0x38: {  	[sflag:s15] =	ssyncadd.s32 $0xFFFFD800  }
0x39: {  	[tilespmem:s16], [sflag:$0x2] =	stream.linear.gather [hbm4b:s6+s29], $0x2800, $0x38;
	[tilespmem:$0x1D000] =	vst v63  }
0x3a: {  	_ =	swait.ge [sflag:s15], $0x2800  }
0x3b: {  	[sflag:s15] =	ssyncset.done $0x0  }
0x3c: {  	[sflag:s15] =	ssyncadd.s32 $0xFFFFD800  }
0x3d: {  	s30 =	simm.s32 $0x0;
	[bflag:$0x0] =	sbarrier.arrive $0xFFFF  }
0x3e: {  	[tilespmem:s14], [sflag:$0x1] =	stream.indirect.gather [hbm4b:s7+s17], $0x80, s30, s17, $0xb8;
	[tilespmem:$0x1D000] =	vst v63  }
0x3f: {  	_ =	swait.ge [sflag:s18], $0x4000  }
0x40: {  	[sflag:s18] =	ssyncset.done $0x0  }
0x41: {  	s31 =	simm.s32 $0x2800;
	[sflag:s18] =	ssyncadd.s32 $0xFFFFC000  }
0x42: {  	[spmem:s1] =	stream.indirect.scatter.add.f32 [tilespmem:s14], [sflag:$0x2], $0x80, s31, s17, $0xb8;
	[tilespmem:$0x1D000] =	vst v63  }
0x43: {  	_ =	swait.ge [sflag:s15], $0x4000  }
0x44: {  	s21 =	simm.s32 $0x200;
	s22 =	simm.s32 $0x400;
	[sflag:s15] =	ssyncset.done $0x0  }
.LBB2_4:
0x45: {  	s23 =	sshra.s32 s21, $0x2  }
0x46: {  	[sflag:s15] =	ssyncadd.s32 $0xFFFFC000;
	s21 =	smov.u32 s22;
	s24 =	sadd.s32 $0x200, s22  }
0x47: {  	[tilespmem:s14], [sflag:$0x1] =	stream.indirect.gather [hbm4b:s7+s17], $0x80, s23, s17, $0xb8;
	[tilespmem:$0x1D000] =	vst v63  }
0x48: {  	p0 =	sne.s32 s22, $0x9E00;
	_ =	swait.ge [sflag:s18], $0x4000  }
.Ltmp1:
0x49: {  	[sflag:s18] =	ssyncset.done $0x0;
	(pc) =	sbr.rel @p0 .LBB2_4-.Ltmp1, $4  }
0x4a: {  	s22 =	sadd.s32 $0x2800, s23;
	[sflag:s18] =	ssyncadd.s32 $0xFFFFC000  }
0x4b: {  	[spmem:s1] =	stream.indirect.scatter.add.f32 [tilespmem:s14], [sflag:$0x2], $0x80, s22, s17, $0xb8;
	[tilespmem:$0x1D000] =	vst v63  }
0x4c: {  	_ =	swait.ge [sflag:s15], $0x4000  }
0x4d: {  	s22 =	smov.u32 s24;
	[sflag:s15] =	ssyncset.done $0x0  }
0x4e: {  	s21 =	sshra.s32 s21, $0x2;
	[sflag:s15] =	ssyncadd.s32 $0xFFFFC000  }
0x4f: {  	[tilespmem:s14], [sflag:$0x1] =	stream.indirect.gather [hbm4b:s7+s17], $0x80, s21, s17, $0xb8;
	[tilespmem:$0x1D000] =	vst v63  }
0x50: {  	_ =	swait.ge [sflag:s18], $0x4000  }
0x51: {  	[sflag:s18] =	ssyncset.done $0x0  }
0x52: {  	s21 =	sadd.s32 $0x2800, s21;
	[sflag:s18] =	ssyncadd.s32 $0xFFFFC000  }
0x53: {  	[spmem:s1] =	stream.indirect.scatter.add.f32 [tilespmem:s14], [sflag:$0x2], $0x80, s21, s17, $0xb8;
	[tilespmem:$0x1D000] =	vst v63  }
0x54: {  	_ =	swait.ge [sflag:s15], $0x4000  }
0x55: {  	s3 =	sadd.s32 $0x1, s3;
	[sflag:s15] =	ssyncset.done $0x0  }
0x56: {  	p0 =	sne.s32 s3, s9;
	[sflag:s15] =	ssyncadd.s32 $0xFFFFC000  }
.Ltmp2:
0x57: {  	[bflag:$0x0] =	sbarrier.arrive $0xFFFF;
	(pc) =	sbr.rel @p0 .LBB2_1-.Ltmp2, $4  }
0x58: {  	[hbm:s8], [sflag:s19] =	dma.local [spmem:s20], $0x2800  }
0x59: {  	_ =	swait.ge [sflag:s15], $0x2800  }
0x5a: {  	[sflag:s15] =	ssyncset.done $0x0  }
0x5b: {  	[sflag:s15] =	ssyncadd.s32 $0xFFFFD800  }
0x5c: {  	_ =	sfence.sel $0x180000  }
0x5d: {  	[bflag:$0x0] =	sbarrier.arrive $0xFFFF  }
0x5e: {  	p0 =	sne.s32 s2, $0x0;
	_ =	strace $0x9000004A  }
0x5f: {  	s0 =	sadd.s32 @!p0 $0x100000, s0;
	[bflag:$0x2] =	sbarrier.arrive $0xFFFF  }
0x60: {  	[sflag:s0] =	ssyncadd.tile.s32 @!p0 $0x1;
	_ =	shalt  }
.Lfunc_end2:
_tile_overlayer_lowered:
.L_overlay_start_2:
0x61: {  	(tag) =	ssettag $0x2  }
0x62: {  	s0 =	rddreg [dreg:$0x0];
	s2 =	stileid.u32  }
0x63: {  	s1 =	rddreg [dreg:$0x1];
	p0 =	sne.s32 s2, $0x0  }
0x64: {  	s3 =	rddreg [dreg:$0x2];
	[bflag:$0x3] =	sbarrier.arrive $0xFFFF;
	s2 =	simm.s32 @!p0 $0x1C02  }
0x65: {  	[timem:s3], [sflag:s2] =	dma.local @!p0 [hbm:s0], s1  }
0x66: {  	s0 =	simm.s32 @!p0 $0x2  }
0x67: {  	_ =	swait.ge @!p0 [sflag:s0], s1  }
0x68: {  	s1 =	ssub.s32 @!p0 $0x0, s1;
	[sflag:s0] =	ssyncset.done @!p0 $0x0  }
0x69: {  	[sflag:s0] =	ssyncadd.s32 @!p0 s1  }
0x6a: {  	[bflag:$0x3] =	sbarrier.arrive $0xFFFF  }
0x6b: {  	_ =	shalt  }

// kernel: kernel.15.cloned.1.call-start
scs
__scs_entry_jumppad:
0x0: {  	(pc) =	sbr.rel $0x88, $3  }
0x1: {  	(tag) =	ssettag $0x0;
	lr =	simm.s32 $0x1  }
0x2: {  	[smem:$0x3F94] =	sst lr;
	_ =	strace $0xD0000000  }
0x3: {  	_ = 	snop  }
0x4: {  	_ = 	snop  }
0x5: {  	_ = 	snop  }
0x6: {  	_ = 	snop  }
0x7: {  	_ = 	snop  }
__scs_overlays_trampoline_lowered:
0x8: {  	[smem:$0x3FA3] =	sst s0  }
0x9: {  	[smem:$0x3FA4] =	sst s1  }
0xa: {  	[smem:$0x3FA5] =	sst s2  }
0xb: {  	[smem:$0x3FA6] =	sst s3  }
0xc: {  	[smem:$0x3FA7] =	sst s4  }
0xd: {  	[smem:$0x3FA8] =	sst s5  }
0xe: {  	[smem:$0x3FA9] =	sst s6  }
0xf: {  	[smem:$0x3FAA] =	sst s7  }
0x10: {  	[smem:$0x3FAB] =	sst s8  }
0x11: {  	[smem:$0x3FAC] =	sst s9;
	s0 =	simm.s32 @!p0 $0x0  }
0x12: {  	s1 =	sld [smem:$0x3F92];
	s0 =	simm.s32 @p0 $0x1  }
0x13: {  	[smem:$0x3FAD] =	sst s0;
	s0 =	simm.s32 @!p1 $0x0  }
0x14: {  	s2 =	sld [smem:$0x3F91];
	s0 =	simm.s32 @p1 $0x1  }
0x15: {  	[smem:$0x3FAE] =	sst s0;
	s0 =	simm.s32 @!p2 $0x0  }
0x16: {  	s3 =	sld [smem:$0x3FDB];
	s0 =	simm.s32 @p2 $0x1  }
0x17: {  	s4 =	simm.s32 $0x1BF5;
	[smem:$0x3FB0] =	sst s0  }
0x18: {  	s0 =	sld [smem:$0x3F93];
	_ =	swait.ge [sflag:s4], $0x0  }
0x19: {  	s7 =	sld [smem:$0x3F94]  }
0x1a: {  	s8 =	sadd.s32 $0xFFFFE003, lr  }
0x1b: {  	s9 =	sadd.s32 $0xFFFFFEF7, lr;
	s5 =	simm.s32 $0xFFFFFFFF;
	p2 =	slt.u32 s8, $0xFFFFF086  }
0x1c: {  	p1 =	slt.u32 s9, $0xF7A;
	s5 =	simm.s32 @!p2 $0x0  }
0x1d: {  	s5 =	simm.s32 @p1 $0x1;
	p0 =	seq.s32 s7, s2  }
0x1e: {  	s7 =	smul.u32 @!p0 $0xF7A, s2;
	p2 =	seq.s32 @!p0 s5, $0x0  }
0x1f: {  	s9 =	smul.u32 $0xF7A, s1;
	s8 =	simm.s32 @!p0 $0x1BF5;
	p2 =	por !p2, p0  }
0x20: {  	[sflag:s8] =	ssyncset.s32 @!p0 $0xFFFFF086;
	s6 =	sadd.s32 @!p0 s3, s7;
	s7 =	simm.s32 @!p0 $0x108  }
0x21: {  	s3 =	sadd.s32 s3, s9;
	s6 =	sadd.s32 @!p0 $0x88, s6;
	s7 =	simm.s32 @p2 $0x1082  }
0x22: {  	[simem:s7], [sflag:s8] =	dma.local @!p0 [hbm:s6], $0xF7A  }
0x23: {  	s9 =	sor.u32 $0xD0000000, s2;
	s6 =	simm.s32 $0x108;
	_ =	swait.ge @!p0 [sflag:s8], $0x0  }
0x24: {  	s3 =	sadd.s32 $0x88, s3;
	s6 =	simm.s32 @!p1 $0x1082;
	[sflag:s4] =	ssyncset.s32 $0xFFFFF086  }
0x25: {  	[simem:s6], [sflag:s4] =	dma.local [hbm:s3], $0xF7A  }
0x26: {  	[smem:$0x3F94] =	sst s1;
	(tag) =	ssettag s2;
	_ =	strace s9  }
0x27: {  	s1 =	sld [smem:$0x3FA4]  }
0x28: {  	s2 =	sld [smem:$0x3FA5]  }
0x29: {  	s4 =	sld [smem:$0x3FA7]  }
0x2a: {  	p0 =	seq.s32 s5, $0x0;
	s5 =	sld [smem:$0x3FA8]  }
0x2b: {  	s6 =	sld [smem:$0x3FA9]  }
0x2c: {  	s7 =	sld [smem:$0x3FAA]  }
0x2d: {  	s3 =	simm.s32 $0x108;
	s8 =	sld [smem:$0x3FAB]  }
0x2e: {  	s3 =	simm.s32 @!p0 $0x1082;
	s9 =	sld [smem:$0x3FAC]  }
0x2f: {  	lr =	sadd.s32 s0, s3;
	s0 =	sld [smem:$0x3FA3]  }
0x30: {  	s3 =	sld [smem:$0x3FA6]  }
0x31: {  	[smem:$0x3FAF] =	sst s10  }
0x32: {  	s10 =	sld [smem:$0x3FAD];
	_ =	sdelay $0x3  }
0x33: {  	p0 =	seq.s32 s10, $0x1;
	s10 =	sld [smem:$0x3FAF];
	_ =	sdelay $0x3  }
0x34: {  	[smem:$0x3FAF] =	sst s10  }
0x35: {  	s10 =	sld [smem:$0x3FAE];
	_ =	sdelay $0x3  }
0x36: {  	p1 =	seq.s32 s10, $0x1;
	s10 =	sld [smem:$0x3FAF];
	_ =	sdelay $0x3  }
0x37: {  	[smem:$0x3FAF] =	sst s10  }
0x38: {  	s10 =	sld [smem:$0x3FB0]  }
0x39: {  	_ = 	snop;
	(pc) =	sbr.ind lr, $3  }
0x3a: {  	_ = 	snop  }
0x3b: {  	_ = 	snop  }
0x3c: {  	p2 =	seq.s32 s10, $0x1;
	s10 =	sld [smem:$0x3FAF]  }
0x3d: {  	_ =	shalt  }
0x3e: {  	_ =	shalt  }
0x3f: {  	_ =	shalt  }
0x40: {  	_ =	shalt  }
0x41: {  	_ =	shalt  }
0x42: {  	_ =	shalt  }
0x43: {  	_ =	shalt  }
0x44: {  	_ =	shalt  }
0x45: {  	_ =	shalt  }
0x46: {  	_ =	shalt  }
0x47: {  	_ =	shalt  }
0x48: {  	_ =	shalt  }
0x49: {  	_ =	shalt  }
0x4a: {  	_ =	shalt  }
0x4b: {  	_ =	shalt  }
0x4c: {  	_ =	shalt  }
0x4d: {  	_ =	shalt  }
0x4e: {  	_ =	shalt  }
0x4f: {  	_ =	shalt  }
0x50: {  	_ =	shalt  }
0x51: {  	_ =	shalt  }
0x52: {  	_ =	shalt  }
0x53: {  	_ =	shalt  }
0x54: {  	_ =	shalt  }
0x55: {  	_ =	shalt  }
0x56: {  	_ =	shalt  }
0x57: {  	_ =	shalt  }
0x58: {  	_ =	shalt  }
0x59: {  	_ =	shalt  }
0x5a: {  	_ =	shalt  }
0x5b: {  	_ =	shalt  }
0x5c: {  	_ =	shalt  }
0x5d: {  	_ =	shalt  }
0x5e: {  	_ =	shalt  }
0x5f: {  	_ =	shalt  }
0x60: {  	_ =	shalt  }
0x61: {  	_ =	shalt  }
0x62: {  	_ =	shalt  }
0x63: {  	_ =	shalt  }
0x64: {  	_ =	shalt  }
0x65: {  	_ =	shalt  }
0x66: {  	_ =	shalt  }
0x67: {  	_ =	shalt  }
0x68: {  	_ =	shalt  }
0x69: {  	_ =	shalt  }
0x6a: {  	_ =	shalt  }
0x6b: {  	_ =	shalt  }
0x6c: {  	_ =	shalt  }
0x6d: {  	_ =	shalt  }
0x6e: {  	_ =	shalt  }
0x6f: {  	_ =	shalt  }
0x70: {  	_ =	shalt  }
0x71: {  	_ =	shalt  }
0x72: {  	_ =	shalt  }
0x73: {  	_ =	shalt  }
0x74: {  	_ =	shalt  }
0x75: {  	_ =	shalt  }
0x76: {  	_ =	shalt  }
0x77: {  	_ =	shalt  }
0x78: {  	_ =	shalt  }
0x79: {  	_ =	shalt  }
0x7a: {  	_ =	shalt  }
0x7b: {  	_ =	shalt  }
0x7c: {  	_ =	shalt  }
0x7d: {  	_ =	shalt  }
0x7e: {  	_ =	shalt  }
0x7f: {  	_ =	shalt  }
0x80: {  	_ =	shalt  }
0x81: {  	_ =	shalt  }
0x82: {  	_ =	shalt  }
0x83: {  	_ =	shalt  }
0x84: {  	_ =	shalt  }
0x85: {  	_ =	shalt  }
0x86: {  	_ =	shalt  }
0x87: {  	_ =	shalt  }
.Lfunc_end0:
.L_simem_size_0:
called_computation.2_lowered:
.L_overlay_start_0:
0x88: {  	s2 =	sld [smem:$0x3FD9]  }
0x89: {  	s3 =	sld [smem:$0x3FFE];
	_ =	sdelay $0x1  }
0x8a: {  	s1 =	srdreg.scid  }
0x8b: {  	s0 =	sand.u32 $0x1, s1  }
0x8c: {  	s17 =	sshll.u32 s0, $0xA;
	s2 =	sadd.s32 s3, s2  }
0x8d: {  	s2 =	sadd.s32 s2, s17  }
0x8e: {  	[smem:$0x3FBB] =	sst s2  }
0x8f: {  	_ = 	snop  }
0x90: {  	s2 =	sld [smem:$0x3FD0];
	(tm) =	ssettm $0x1  }
0x91: {  	s18 =	sld [smem:$0x3FFB];
	_ =	sdelay $0x3  }
0x92: {  	_ =	strace s18  }
0x93: {  	s3 =	sld [smem:$0x3FFC];
	_ =	sdelay $0x3  }
0x94: {  	_ =	strace s3  }
0x95: {  	s3 =	sld [smem:$0x3FFD];
	_ =	sdelay $0x3  }
0x96: {  	_ =	strace s3  }
0x97: {  	_ =	strace $0x8FFFFFFF  }
0x98: {  	s19 =	sld [smem:$0x3FDB];
	_ =	sdelay $0x1  }
0x99: {  	s4 =	simm.s32 $_scs_section_size  }
0x9a: {  	s5 =	simm.s32 $_size__tile_overlayer_lowered;
	s6 =	simm.s32 $_tile_overlayer_lowered  }
0x9b: {  	s22 =	simm.s32 $0x1BFF;
	s21 =	sshll.u32 s6, $0x1;
	s3 =	sadd.s32 s4, s19  }
0x9c: {  	s7 =	simm.s32 $0x0;
	s20 =	sshll.u32 s5, $0x1;
	s5 =	sadd.s32 s21, s3  }
0x9d: {  	[timem:s7], [sflag:s22] =	dma.local [hbm:s5], s20  }
0x9e: {  	_ =	swait.ge [sflag:s22], s20  }
0x9f: {  	s4 =	ssub.s32 $0x0, s20;
	[sflag:s22] =	ssyncset.done $0x0  }
0xa0: {  	[sflag:s22] =	ssyncadd.s32 s4;
	_ =	sdelay $0x1  }
0xa1: {  	s23 =	simm.s32 $0x1B8B  }
0xa2: {  	_ =	swait.ge [sflag:s23], $0x1  }
0xa3: {  	[sflag:s23] =	ssyncset.done $0x0  }
0xa4: {  	s25 =	simm.s32 $0x1B8E;
	s24 =	sld [smem:$0x3FFE];
	[sflag:s23] =	ssyncadd.s32 $0xFFFFFFFF  }
0xa5: {  	s26 =	simm.s32 $execute0_lowered;
	[smem:$0x3FD2] =	sst s25  }
0xa6: {  	s5 =	sshll.u32 s26, $0x1;
	_ =	strace $0x8000004C;
	[dreg:$0x1] =	wrdreg $0xFFFFFFFF  }
0xa7: {  	s28 =	simm.s32 $_size_execute0_lowered;
	s3 =	sadd.s32 s3, s5;
	[dreg:$0x0] =	wrdreg $0x0  }
0xa8: {  	s5 =	sshll.u32 s28, $0x1;
	[dreg:$0x2] =	wrdreg s3  }
0xa9: {  	[dreg:$0x3] =	wrdreg s5  }
0xaa: {  	[dreg:$0x4] =	wrdreg $0xC0  }
0xab: {  	_ =	task [dreg:s7], $0x5FFFF  }
0xac: {  	[dreg:$0x1] =	wrdreg $0xFFFFFFFF  }
0xad: {  	[dreg:$0x0] =	wrdreg $0x60  }
0xae: {  	[dreg:$0x2] =	wrdreg s24  }
0xaf: {  	[dreg:$0x3] =	wrdreg s2  }
0xb0: {  	[dreg:$0x4] =	wrdreg $0x90000  }
0xb1: {  	[dreg:$0x5] =	wrdreg $0x9  }
0xb2: {  	_ =	task.clear_ibuf [dreg:s7], $0x6FFFF;
	_ =	strace $0x9000004C  }
0xb3: {  	s29 =	simm.s32 $0x9;
	_ =	strace $0x8000004E  }
0xb4: {  	_ =	swait.ge [sflag:s29], $0x1  }
0xb5: {  	[sflag:s29] =	ssyncadd.s32 $0xFFFFFFFF  }
0xb6: {  	_ =	strace $0x9000004E  }
0xb7: {  	_ =	sfence  }
0xb8: {  	s30 =	sld [smem:$0x0];
	_ =	sdelay $0x2  }
0xb9: {  	s31 =	sshll.u32 s1, $0xD;
	s1 =	sshrl.u32 s1, $0x2  }
0xba: {  	s3 =	sand.u32 $0x4000, s31;
	s1 =	sadd.s32 s1, s30  }
0xbb: {  	s0 =	sor.u32 s3, s0;
	s1 =	sshll.u32 s1, $0x11  }
0xbc: {  	s0 =	sor.u32 s1, s0  }
0xbd: {  	s0 =	sadd.s32 $0x8F2B, s0  }
0xbe: {  	[sflag:s0] =	ssyncadd.remote.s32 $0x1  }
0xbf: {  	_ =	sfence.sel $0xFFFF  }
0xc0: {  	[dreg:$0x0] =	wrdreg $0xFFFFFFFF;
	(pc) =	sbr.abs _section_cstart, $3  }
0xc1: {  	[dreg:$0x1] =	wrdreg $0xFFFFFFFF  }
0xc2: {  	_ =	task.clear_ibuf [dreg:s7], $0x2FFFF;
	_ =	strace $0x9FFFFFFF  }
0xc3: {  	(tm) =	ssettm $0x7FFFFFFF  }
tec
execute0_lowered:
.L_overlay_start_1:
0x0: {  	(tag) =	ssettag $0x1  }
0x1: {  	s4 =	rddreg [dreg:$0x0]  }
0x2: {  	s6 =	rddreg [dreg:$0x1];
	s0 =	srdreg.scid  }
0x3: {  	s1 =	rddreg [dreg:$0x2];
	s3 =	simm.s32 $0x0;
	s2 =	stileid.u32  }
0x4: {  	s14 =	simm.s32 $0x5000;
	s15 =	simm.s32 $0x2;
	s9 =	smul.u32 $0x14000, s2  }
0x5: {  	s16 =	simm.s32 $0x2800;
	s17 =	simm.s32 $0x80;
	s10 =	smul.u32 $0x500, s2  }
0x6: {  	s5 =	sand.u32 $0x1, s0;
	s0 =	rddreg [dreg:$0x3];
	s30 =	smul.u32 $0x50000, s2  }
0x7: {  	s18 =	simm.s32 $0x1;
	[smem:$0x7FF] =	sst s3;
	s7 =	smul.u32 $0x27100, s5  }
0x8: {  	s19 =	sshll.u32 s2, $0x6;
	s8 =	smul.u32 $0x140000, s5;
	_ =	strace $0x8000004D  }
0x9: {  	s5 =	ssub.s32 $0x2, s5;
	s19 =	sor.u32 $0x1C02, s19;
	s11 =	sadd.s32 s10, s4  }
0xa: {  	s12 =	sshrl.u32 s5, $0x1;
	s31 =	sshrl.u32 s30, $0x2;
	s6 =	sadd.s32 s6, s10  }
0xb: {  	s7 =	sadd.s32 s7, s4;
	s8 =	sadd.s32 s9, s8;
	s12 =	ssub.s32 s5, s12  }
0xc: {  	s5 =	sadd.s32 $0x2B000, s11;
	s8 =	sshrl.u32 s8, $0x3;
	s7 =	sadd.s32 $0x30000, s7  }
0xd: {  	s9 =	smax.u32 s12, $0x1;
	s8 =	sadd.s32 s8, s4;
	s4 =	sadd.s32 s31, s1  }
0xe: {  	s8 =	sadd.s32 $0x7E200, s8;
	s10 =	sadd.s32 $0x4000, s4;
	s11 =	sadd.s32 $0x8000, s4  }
0xf: {  	v0 =	vimm.f32 $0.0e+00;
	s12 =	sadd.s32 $0xC000, s4;
	s13 =	sadd.s32 $0x10000, s4;
	s20 =	sshrl.u32 s4, $0x3  }
.LBB2_1:
0x10: {  	s21 =	simm.s32 $0x0;
	s22 =	simm.s32 $0x200  }
.LBB2_2:
0x11: {  	p0 =	sne.s32 s22, $0xFE00;
	[tilespmem:s21+$0x5070] =	vst v0  }
0x12: {  	[tilespmem:s21+$0x5000] =	vst v0  }
0x13: {  	[tilespmem:s21+$0x5010] =	vst v0  }
.Ltmp0:
0x14: {  	[tilespmem:s21+$0x5020] =	vst v0;
	(pc) =	sbr.rel @p0 .LBB2_2-.Ltmp0, $4  }
0x15: {  	[tilespmem:s21+$0x5030] =	vst v0  }
0x16: {  	[tilespmem:s21+$0x5040] =	vst v0  }
0x17: {  	[tilespmem:s21+$0x5050] =	vst v0  }
0x18: {  	[tilespmem:s21+$0x5060] =	vst v0;
	s21 =	sshra.s32 s22, $0x2;
	s22 =	sadd.s32 $0x200, s22  }
0x19: {  	[tilespmem:s21+$0x5070] =	vst v0  }
0x1a: {  	[tilespmem:s21+$0x5000] =	vst v0  }
0x1b: {  	[tilespmem:s21+$0x5010] =	vst v0  }
0x1c: {  	[tilespmem:s21+$0x5020] =	vst v0  }
0x1d: {  	[tilespmem:s21+$0x5030] =	vst v0  }
0x1e: {  	[tilespmem:s21+$0x5040] =	vst v0  }
0x1f: {  	[tilespmem:s21+$0x5050] =	vst v0  }
0x20: {  	[tilespmem:s21+$0x5060] =	vst v0  }
0x21: {  	[spmem:s4] =	stream.linear.scatter [tilespmem:s14], [sflag:$0x2], $0x4000, $0x38;
	[tilespmem:$0x1D000] =	vst v63  }
0x22: {  	_ =	swait.ge [sflag:s15], $0x4000  }
0x23: {  	[sflag:s15] =	ssyncset.done $0x0  }
0x24: {  	[sflag:s15] =	ssyncadd.s32 $0xFFFFC000  }
0x25: {  	[spmem:s10] =	stream.linear.scatter [tilespmem:s14], [sflag:$0x2], $0x4000, $0x38;
	[tilespmem:$0x1D000] =	vst v63  }
0x26: {  	_ =	swait.ge [sflag:s15], $0x4000  }
0x27: {  	[sflag:s15] =	ssyncset.done $0x0  }
0x28: {  	[sflag:s15] =	ssyncadd.s32 $0xFFFFC000  }
0x29: {  	[spmem:s11] =	stream.linear.scatter [tilespmem:s14], [sflag:$0x2], $0x4000, $0x38;
	[tilespmem:$0x1D000] =	vst v63  }
0x2a: {  	_ =	swait.ge [sflag:s15], $0x4000  }
0x2b: {  	[sflag:s15] =	ssyncset.done $0x0  }
0x2c: {  	[sflag:s15] =	ssyncadd.s32 $0xFFFFC000  }
0x2d: {  	[spmem:s12] =	stream.linear.scatter [tilespmem:s14], [sflag:$0x2], $0x4000, $0x38;
	[tilespmem:$0x1D000] =	vst v63  }
0x2e: {  	_ =	swait.ge [sflag:s15], $0x4000  }
0x2f: {  	[sflag:s15] =	ssyncset.done $0x0  }
0x30: {  	[sflag:s15] =	ssyncadd.s32 $0xFFFFC000  }
0x31: {  	[spmem:s13] =	stream.linear.scatter [tilespmem:s14], [sflag:$0x2], $0x4000, $0x38;
	[tilespmem:$0x1D000] =	vst v63  }
0x32: {  	_ =	swait.ge [sflag:s15], $0x4000  }
0x33: {  	[sflag:s15] =	ssyncset.done $0x0  }
0x34: {  	s29 =	simm.s32 $0x0;
	[sflag:s15] =	ssyncadd.s32 $0xFFFFC000  }
0x35: {  	[tilespmem:s29], [sflag:$0x2] =	stream.linear.gather [hbm4b:s5+s29], $0x2800, $0x38;
	[tilespmem:$0x1D000] =	vst v63  }
0x36: {  	_ =	swait.ge [sflag:s15], $0x2800  }
0x37: {  	[sflag:s15] =	ssyncset.done $0x0  }
0x38: {  	[sflag:s15] =	ssyncadd.s32 $0xFFFFD800  }
0x39: {  	[tilespmem:s16], [sflag:$0x2] =	stream.linear.gather [hbm4b:s6+s29], $0x2800, $0x38;
	[tilespmem:$0x1D000] =	vst v63  }
0x3a: {  	_ =	swait.ge [sflag:s15], $0x2800  }
0x3b: {  	[sflag:s15] =	ssyncset.done $0x0  }
0x3c: {  	[sflag:s15] =	ssyncadd.s32 $0xFFFFD800  }
0x3d: {  	s30 =	simm.s32 $0x0;
	[bflag:$0x0] =	sbarrier.arrive $0xFFFF  }
0x3e: {  	[tilespmem:s14], [sflag:$0x1] =	stream.indirect.gather [hbm4b:s7+s17], $0x80, s30, s17, $0xb8;
	[tilespmem:$0x1D000] =	vst v63  }
0x3f: {  	_ =	swait.ge [sflag:s18], $0x4000  }
0x40: {  	[sflag:s18] =	ssyncset.done $0x0  }
0x41: {  	s31 =	simm.s32 $0x2800;
	[sflag:s18] =	ssyncadd.s32 $0xFFFFC000  }
0x42: {  	[spmem:s1] =	stream.indirect.scatter.add.f32 [tilespmem:s14], [sflag:$0x2], $0x80, s31, s17, $0xb8;
	[tilespmem:$0x1D000] =	vst v63  }
0x43: {  	_ =	swait.ge [sflag:s15], $0x4000  }
0x44: {  	s21 =	simm.s32 $0x200;
	s22 =	simm.s32 $0x400;
	[sflag:s15] =	ssyncset.done $0x0  }
.LBB2_4:
0x45: {  	s23 =	sshra.s32 s21, $0x2  }
0x46: {  	[sflag:s15] =	ssyncadd.s32 $0xFFFFC000;
	s21 =	smov.u32 s22;
	s24 =	sadd.s32 $0x200, s22  }
0x47: {  	[tilespmem:s14], [sflag:$0x1] =	stream.indirect.gather [hbm4b:s7+s17], $0x80, s23, s17, $0xb8;
	[tilespmem:$0x1D000] =	vst v63  }
0x48: {  	p0 =	sne.s32 s22, $0x9E00;
	_ =	swait.ge [sflag:s18], $0x4000  }
.Ltmp1:
0x49: {  	[sflag:s18] =	ssyncset.done $0x0;
	(pc) =	sbr.rel @p0 .LBB2_4-.Ltmp1, $4  }
0x4a: {  	s22 =	sadd.s32 $0x2800, s23;
	[sflag:s18] =	ssyncadd.s32 $0xFFFFC000  }
0x4b: {  	[spmem:s1] =	stream.indirect.scatter.add.f32 [tilespmem:s14], [sflag:$0x2], $0x80, s22, s17, $0xb8;
	[tilespmem:$0x1D000] =	vst v63  }
0x4c: {  	_ =	swait.ge [sflag:s15], $0x4000  }
0x4d: {  	s22 =	smov.u32 s24;
	[sflag:s15] =	ssyncset.done $0x0  }
0x4e: {  	s21 =	sshra.s32 s21, $0x2;
	[sflag:s15] =	ssyncadd.s32 $0xFFFFC000  }
0x4f: {  	[tilespmem:s14], [sflag:$0x1] =	stream.indirect.gather [hbm4b:s7+s17], $0x80, s21, s17, $0xb8;
	[tilespmem:$0x1D000] =	vst v63  }
0x50: {  	_ =	swait.ge [sflag:s18], $0x4000  }
0x51: {  	[sflag:s18] =	ssyncset.done $0x0  }
0x52: {  	s21 =	sadd.s32 $0x2800, s21;
	[sflag:s18] =	ssyncadd.s32 $0xFFFFC000  }
0x53: {  	[spmem:s1] =	stream.indirect.scatter.add.f32 [tilespmem:s14], [sflag:$0x2], $0x80, s21, s17, $0xb8;
	[tilespmem:$0x1D000] =	vst v63  }
0x54: {  	_ =	swait.ge [sflag:s15], $0x4000  }
0x55: {  	s3 =	sadd.s32 $0x1, s3;
	[sflag:s15] =	ssyncset.done $0x0  }
0x56: {  	p0 =	sne.s32 s3, s9;
	[sflag:s15] =	ssyncadd.s32 $0xFFFFC000  }
.Ltmp2:
0x57: {  	[bflag:$0x0] =	sbarrier.arrive $0xFFFF;
	(pc) =	sbr.rel @p0 .LBB2_1-.Ltmp2, $4  }
0x58: {  	[hbm:s8], [sflag:s19] =	dma.local [spmem:s20], $0x2800  }
0x59: {  	_ =	swait.ge [sflag:s15], $0x2800  }
0x5a: {  	[sflag:s15] =	ssyncset.done $0x0  }
0x5b: {  	[sflag:s15] =	ssyncadd.s32 $0xFFFFD800  }
0x5c: {  	_ =	sfence.sel $0x180000  }
0x5d: {  	[bflag:$0x0] =	sbarrier.arrive $0xFFFF  }
0x5e: {  	p0 =	sne.s32 s2, $0x0;
	_ =	strace $0x9000004D  }
0x5f: {  	s0 =	sadd.s32 @!p0 $0x100000, s0;
	[bflag:$0x2] =	sbarrier.arrive $0xFFFF  }
0x60: {  	[sflag:s0] =	ssyncadd.tile.s32 @!p0 $0x1;
	_ =	shalt  }
.Lfunc_end2:
_tile_overlayer_lowered:
.L_overlay_start_2:
0x61: {  	(tag) =	ssettag $0x2  }
0x62: {  	s0 =	rddreg [dreg:$0x0];
	s2 =	stileid.u32  }
0x63: {  	s1 =	rddreg [dreg:$0x1];
	p0 =	sne.s32 s2, $0x0  }
0x64: {  	s3 =	rddreg [dreg:$0x2];
	[bflag:$0x3] =	sbarrier.arrive $0xFFFF;
	s2 =	simm.s32 @!p0 $0x1C02  }
0x65: {  	[timem:s3], [sflag:s2] =	dma.local @!p0 [hbm:s0], s1  }
0x66: {  	s0 =	simm.s32 @!p0 $0x2  }
0x67: {  	_ =	swait.ge @!p0 [sflag:s0], s1  }
0x68: {  	s1 =	ssub.s32 @!p0 $0x0, s1;
	[sflag:s0] =	ssyncset.done @!p0 $0x0  }
0x69: {  	[sflag:s0] =	ssyncadd.s32 @!p0 s1  }
0x6a: {  	[bflag:$0x3] =	sbarrier.arrive $0xFFFF  }
0x6b: {  	_ =	shalt  }

// kernel: kernel.9.cloned.1.call-start
scs
__scs_entry_jumppad:
0x0: {  	(pc) =	sbr.rel $0x88, $3  }
0x1: {  	(tag) =	ssettag $0x0;
	lr =	simm.s32 $0x1  }
0x2: {  	[smem:$0x3F94] =	sst lr;
	_ =	strace $0xD0000000  }
0x3: {  	_ = 	snop  }
0x4: {  	_ = 	snop  }
0x5: {  	_ = 	snop  }
0x6: {  	_ = 	snop  }
0x7: {  	_ = 	snop  }
__scs_overlays_trampoline_lowered:
0x8: {  	[smem:$0x3FA3] =	sst s0  }
0x9: {  	[smem:$0x3FA4] =	sst s1  }
0xa: {  	[smem:$0x3FA5] =	sst s2  }
0xb: {  	[smem:$0x3FA6] =	sst s3  }
0xc: {  	[smem:$0x3FA7] =	sst s4  }
0xd: {  	[smem:$0x3FA8] =	sst s5  }
0xe: {  	[smem:$0x3FA9] =	sst s6  }
0xf: {  	[smem:$0x3FAA] =	sst s7  }
0x10: {  	[smem:$0x3FAB] =	sst s8  }
0x11: {  	[smem:$0x3FAC] =	sst s9;
	s0 =	simm.s32 @!p0 $0x0  }
0x12: {  	s1 =	sld [smem:$0x3F92];
	s0 =	simm.s32 @p0 $0x1  }
0x13: {  	[smem:$0x3FAD] =	sst s0;
	s0 =	simm.s32 @!p1 $0x0  }
0x14: {  	s2 =	sld [smem:$0x3F91];
	s0 =	simm.s32 @p1 $0x1  }
0x15: {  	[smem:$0x3FAE] =	sst s0;
	s0 =	simm.s32 @!p2 $0x0  }
0x16: {  	s3 =	sld [smem:$0x3FDB];
	s0 =	simm.s32 @p2 $0x1  }
0x17: {  	s4 =	simm.s32 $0x1BF5;
	[smem:$0x3FB0] =	sst s0  }
0x18: {  	s0 =	sld [smem:$0x3F93];
	_ =	swait.ge [sflag:s4], $0x0  }
0x19: {  	s7 =	sld [smem:$0x3F94]  }
0x1a: {  	s8 =	sadd.s32 $0xFFFFE003, lr  }
0x1b: {  	s9 =	sadd.s32 $0xFFFFFEF7, lr;
	s5 =	simm.s32 $0xFFFFFFFF;
	p2 =	slt.u32 s8, $0xFFFFF086  }
0x1c: {  	p1 =	slt.u32 s9, $0xF7A;
	s5 =	simm.s32 @!p2 $0x0  }
0x1d: {  	s5 =	simm.s32 @p1 $0x1;
	p0 =	seq.s32 s7, s2  }
0x1e: {  	s7 =	smul.u32 @!p0 $0xF7A, s2;
	p2 =	seq.s32 @!p0 s5, $0x0  }
0x1f: {  	s9 =	smul.u32 $0xF7A, s1;
	s8 =	simm.s32 @!p0 $0x1BF5;
	p2 =	por !p2, p0  }
0x20: {  	[sflag:s8] =	ssyncset.s32 @!p0 $0xFFFFF086;
	s6 =	sadd.s32 @!p0 s3, s7;
	s7 =	simm.s32 @!p0 $0x108  }
0x21: {  	s3 =	sadd.s32 s3, s9;
	s6 =	sadd.s32 @!p0 $0x88, s6;
	s7 =	simm.s32 @p2 $0x1082  }
0x22: {  	[simem:s7], [sflag:s8] =	dma.local @!p0 [hbm:s6], $0xF7A  }
0x23: {  	s9 =	sor.u32 $0xD0000000, s2;
	s6 =	simm.s32 $0x108;
	_ =	swait.ge @!p0 [sflag:s8], $0x0  }
0x24: {  	s3 =	sadd.s32 $0x88, s3;
	s6 =	simm.s32 @!p1 $0x1082;
	[sflag:s4] =	ssyncset.s32 $0xFFFFF086  }
0x25: {  	[simem:s6], [sflag:s4] =	dma.local [hbm:s3], $0xF7A  }
0x26: {  	[smem:$0x3F94] =	sst s1;
	(tag) =	ssettag s2;
	_ =	strace s9  }
0x27: {  	s1 =	sld [smem:$0x3FA4]  }
0x28: {  	s2 =	sld [smem:$0x3FA5]  }
0x29: {  	s4 =	sld [smem:$0x3FA7]  }
0x2a: {  	p0 =	seq.s32 s5, $0x0;
	s5 =	sld [smem:$0x3FA8]  }
0x2b: {  	s6 =	sld [smem:$0x3FA9]  }
0x2c: {  	s7 =	sld [smem:$0x3FAA]  }
0x2d: {  	s3 =	simm.s32 $0x108;
	s8 =	sld [smem:$0x3FAB]  }
0x2e: {  	s3 =	simm.s32 @!p0 $0x1082;
	s9 =	sld [smem:$0x3FAC]  }
0x2f: {  	lr =	sadd.s32 s0, s3;
	s0 =	sld [smem:$0x3FA3]  }
0x30: {  	s3 =	sld [smem:$0x3FA6]  }
0x31: {  	[smem:$0x3FAF] =	sst s10  }
0x32: {  	s10 =	sld [smem:$0x3FAD];
	_ =	sdelay $0x3  }
0x33: {  	p0 =	seq.s32 s10, $0x1;
	s10 =	sld [smem:$0x3FAF];
	_ =	sdelay $0x3  }
0x34: {  	[smem:$0x3FAF] =	sst s10  }
0x35: {  	s10 =	sld [smem:$0x3FAE];
	_ =	sdelay $0x3  }
0x36: {  	p1 =	seq.s32 s10, $0x1;
	s10 =	sld [smem:$0x3FAF];
	_ =	sdelay $0x3  }
0x37: {  	[smem:$0x3FAF] =	sst s10  }
0x38: {  	s10 =	sld [smem:$0x3FB0]  }
0x39: {  	_ = 	snop;
	(pc) =	sbr.ind lr, $3  }
0x3a: {  	_ = 	snop  }
0x3b: {  	_ = 	snop  }
0x3c: {  	p2 =	seq.s32 s10, $0x1;
	s10 =	sld [smem:$0x3FAF]  }
0x3d: {  	_ =	shalt  }
0x3e: {  	_ =	shalt  }
0x3f: {  	_ =	shalt  }
0x40: {  	_ =	shalt  }
0x41: {  	_ =	shalt  }
0x42: {  	_ =	shalt  }
0x43: {  	_ =	shalt  }
0x44: {  	_ =	shalt  }
0x45: {  	_ =	shalt  }
0x46: {  	_ =	shalt  }
0x47: {  	_ =	shalt  }
0x48: {  	_ =	shalt  }
0x49: {  	_ =	shalt  }
0x4a: {  	_ =	shalt  }
0x4b: {  	_ =	shalt  }
0x4c: {  	_ =	shalt  }
0x4d: {  	_ =	shalt  }
0x4e: {  	_ =	shalt  }
0x4f: {  	_ =	shalt  }
0x50: {  	_ =	shalt  }
0x51: {  	_ =	shalt  }
0x52: {  	_ =	shalt  }
0x53: {  	_ =	shalt  }
0x54: {  	_ =	shalt  }
0x55: {  	_ =	shalt  }
0x56: {  	_ =	shalt  }
0x57: {  	_ =	shalt  }
0x58: {  	_ =	shalt  }
0x59: {  	_ =	shalt  }
0x5a: {  	_ =	shalt  }
0x5b: {  	_ =	shalt  }
0x5c: {  	_ =	shalt  }
0x5d: {  	_ =	shalt  }
0x5e: {  	_ =	shalt  }
0x5f: {  	_ =	shalt  }
0x60: {  	_ =	shalt  }
0x61: {  	_ =	shalt  }
0x62: {  	_ =	shalt  }
0x63: {  	_ =	shalt  }
0x64: {  	_ =	shalt  }
0x65: {  	_ =	shalt  }
0x66: {  	_ =	shalt  }
0x67: {  	_ =	shalt  }
0x68: {  	_ =	shalt  }
0x69: {  	_ =	shalt  }
0x6a: {  	_ =	shalt  }
0x6b: {  	_ =	shalt  }
0x6c: {  	_ =	shalt  }
0x6d: {  	_ =	shalt  }
0x6e: {  	_ =	shalt  }
0x6f: {  	_ =	shalt  }
0x70: {  	_ =	shalt  }
0x71: {  	_ =	shalt  }
0x72: {  	_ =	shalt  }
0x73: {  	_ =	shalt  }
0x74: {  	_ =	shalt  }
0x75: {  	_ =	shalt  }
0x76: {  	_ =	shalt  }
0x77: {  	_ =	shalt  }
0x78: {  	_ =	shalt  }
0x79: {  	_ =	shalt  }
0x7a: {  	_ =	shalt  }
0x7b: {  	_ =	shalt  }
0x7c: {  	_ =	shalt  }
0x7d: {  	_ =	shalt  }
0x7e: {  	_ =	shalt  }
0x7f: {  	_ =	shalt  }
0x80: {  	_ =	shalt  }
0x81: {  	_ =	shalt  }
0x82: {  	_ =	shalt  }
0x83: {  	_ =	shalt  }
0x84: {  	_ =	shalt  }
0x85: {  	_ =	shalt  }
0x86: {  	_ =	shalt  }
0x87: {  	_ =	shalt  }
.Lfunc_end0:
.L_simem_size_0:
called_computation_lowered:
.L_overlay_start_0:
0x88: {  	s2 =	sld [smem:$0x3FD9]  }
0x89: {  	s3 =	sld [smem:$0x3FFE];
	_ =	sdelay $0x1  }
0x8a: {  	s1 =	srdreg.scid  }
0x8b: {  	s0 =	sand.u32 $0x1, s1  }
0x8c: {  	s17 =	sshll.u32 s0, $0xA;
	s2 =	sadd.s32 s3, s2  }
0x8d: {  	s2 =	sadd.s32 s2, s17  }
0x8e: {  	[smem:$0x3FBB] =	sst s2  }
0x8f: {  	_ = 	snop  }
0x90: {  	s2 =	sld [smem:$0x3FD0];
	(tm) =	ssettm $0x1  }
0x91: {  	s18 =	sld [smem:$0x3FFB];
	_ =	sdelay $0x3  }
0x92: {  	_ =	strace s18  }
0x93: {  	s3 =	sld [smem:$0x3FFC];
	_ =	sdelay $0x3  }
0x94: {  	_ =	strace s3  }
0x95: {  	s3 =	sld [smem:$0x3FFD];
	_ =	sdelay $0x3  }
0x96: {  	_ =	strace s3  }
0x97: {  	_ =	strace $0x8FFFFFFF  }
0x98: {  	s19 =	sld [smem:$0x3FDB];
	_ =	sdelay $0x1  }
0x99: {  	s4 =	simm.s32 $_scs_section_size  }
0x9a: {  	s5 =	simm.s32 $_size__tile_overlayer_lowered;
	s6 =	simm.s32 $_tile_overlayer_lowered  }
0x9b: {  	s22 =	simm.s32 $0x1BFF;
	s21 =	sshll.u32 s6, $0x1;
	s3 =	sadd.s32 s4, s19  }
0x9c: {  	s7 =	simm.s32 $0x0;
	s20 =	sshll.u32 s5, $0x1;
	s5 =	sadd.s32 s21, s3  }
0x9d: {  	[timem:s7], [sflag:s22] =	dma.local [hbm:s5], s20  }
0x9e: {  	_ =	swait.ge [sflag:s22], s20  }
0x9f: {  	s4 =	ssub.s32 $0x0, s20;
	[sflag:s22] =	ssyncset.done $0x0  }
0xa0: {  	[sflag:s22] =	ssyncadd.s32 s4;
	_ =	sdelay $0x1  }
0xa1: {  	s23 =	simm.s32 $0x1B8B  }
0xa2: {  	_ =	swait.ge [sflag:s23], $0x1  }
0xa3: {  	[sflag:s23] =	ssyncset.done $0x0  }
0xa4: {  	s25 =	simm.s32 $0x1B8E;
	s24 =	sld [smem:$0x3FFE];
	[sflag:s23] =	ssyncadd.s32 $0xFFFFFFFF  }
0xa5: {  	s26 =	simm.s32 $execute0_lowered;
	[smem:$0x3FD2] =	sst s25  }
0xa6: {  	s5 =	sshll.u32 s26, $0x1;
	_ =	strace $0x80000046;
	[dreg:$0x1] =	wrdreg $0xFFFFFFFF  }
0xa7: {  	s28 =	simm.s32 $_size_execute0_lowered;
	s3 =	sadd.s32 s3, s5;
	[dreg:$0x0] =	wrdreg $0x0  }
0xa8: {  	s5 =	sshll.u32 s28, $0x1;
	[dreg:$0x2] =	wrdreg s3  }
0xa9: {  	[dreg:$0x3] =	wrdreg s5  }
0xaa: {  	[dreg:$0x4] =	wrdreg $0xC0  }
0xab: {  	_ =	task [dreg:s7], $0x5FFFF  }
0xac: {  	[dreg:$0x1] =	wrdreg $0xFFFFFFFF  }
0xad: {  	[dreg:$0x0] =	wrdreg $0x60  }
0xae: {  	[dreg:$0x2] =	wrdreg s2  }
0xaf: {  	[dreg:$0x3] =	wrdreg s24  }
0xb0: {  	[dreg:$0x4] =	wrdreg $0x108000  }
0xb1: {  	[dreg:$0x5] =	wrdreg $0x9  }
0xb2: {  	_ =	task.clear_ibuf [dreg:s7], $0x6FFFF;
	_ =	strace $0x90000046  }
0xb3: {  	s29 =	simm.s32 $0x9;
	_ =	strace $0x80000048  }
0xb4: {  	_ =	swait.ge [sflag:s29], $0x1  }
0xb5: {  	[sflag:s29] =	ssyncadd.s32 $0xFFFFFFFF  }
0xb6: {  	_ =	strace $0x90000048  }
0xb7: {  	_ =	sfence  }
0xb8: {  	s30 =	sld [smem:$0x0];
	_ =	sdelay $0x2  }
0xb9: {  	s31 =	sshll.u32 s1, $0xD;
	s1 =	sshrl.u32 s1, $0x2  }
0xba: {  	s3 =	sand.u32 $0x4000, s31;
	s1 =	sadd.s32 s1, s30  }
0xbb: {  	s0 =	sor.u32 s3, s0;
	s1 =	sshll.u32 s1, $0x11  }
0xbc: {  	s0 =	sor.u32 s1, s0  }
0xbd: {  	s0 =	sadd.s32 $0x8F2B, s0  }
0xbe: {  	[sflag:s0] =	ssyncadd.remote.s32 $0x1  }
0xbf: {  	_ =	sfence.sel $0xFFFF  }
0xc0: {  	[dreg:$0x0] =	wrdreg $0xFFFFFFFF;
	(pc) =	sbr.abs _section_cstart, $3  }
0xc1: {  	[dreg:$0x1] =	wrdreg $0xFFFFFFFF  }
0xc2: {  	_ =	task.clear_ibuf [dreg:s7], $0x2FFFF;
	_ =	strace $0x9FFFFFFF  }
0xc3: {  	(tm) =	ssettm $0x7FFFFFFF  }
tec
execute0_lowered:
.L_overlay_start_1:
0x0: {  	(tag) =	ssettag $0x1  }
0x1: {  	s5 =	rddreg [dreg:$0x0]  }
0x2: {  	s4 =	rddreg [dreg:$0x1];
	s0 =	srdreg.scid  }
0x3: {  	s2 =	rddreg [dreg:$0x2];
	s1 =	stileid.u32  }
0x4: {  	s3 =	simm.s32 $0x0;
	s11 =	simm.s32 $0x2800;
	s8 =	smul.u32 $0xA000, s1  }
0x5: {  	s12 =	simm.s32 $0x1;
	s15 =	simm.s32 $0x0;
	s30 =	smul.u32 $0x28000, s1  }
0x6: {  	s6 =	sand.u32 $0x1, s0;
	s0 =	rddreg [dreg:$0x3];
	s10 =	smul.u32 $0x500, s1  }
0x7: {  	[smem:$0x7FF] =	sst s3;
	s14 =	sshll.u32 s1, $0x6;
	s7 =	smul.u32 $0xA0000, s6  }
0x8: {  	_ =	strace $0x80000047;
	s9 =	ssub.s32 $0x2, s6;
	s13 =	smul.u32 $0xFFFFEC78, s6  }
0x9: {  	s31 =	sshrl.u32 s9, $0x1;
	s5 =	sadd.s32 s5, s10;
	s7 =	sadd.s32 s8, s7  }
0xa: {  	s10 =	simm.s32 $0x80;
	s8 =	sshrl.u32 s30, $0x2;
	s7 =	sshrl.u32 s7, $0x3  }
0xb: {  	s9 =	ssub.s32 s9, s31;
	v0 =	vmov s13;
	s13 =	sor.u32 $0x1C02, s14;
	s7 =	sadd.s32 s7, s4  }
0xc: {  	s4 =	sadd.s32 s8, s2;
	s8 =	simm.s32 $0x6800;
	s6 =	sadd.s32 $0x3000, s7  }
0xd: {  	v1 =	vimm.f32 $1.000000000e+00;
	v2 =	vimm.f32 $0.0e+00;
	s7 =	smax.u32 s9, $0x1;
	s9 =	simm.s32 $0x2;
	s14 =	sshrl.u32 s4, $0x3  }
.LBB2_1:
0xe: {  	s16 =	simm.s32 $0x0  }
.LBB2_2:
0xf: {  	p0 =	sne.s32 s16, $0xFE00  }
.Ltmp0:
0x10: {  	_ = 	snop;
	(pc) =	sbr.rel @p0 .LBB2_2-.Ltmp0, $3  }
0x11: {  	_ =	sdelay $0x1  }
0x12: {  	s17 =	sshra.s32 s16, $0x2  }
0x13: {  	s16 =	sadd.s32 $0x200, s16;
	[tilespmem:s17+$0x2800] =	vst v1  }
0x14: {  	s16 =	simm.s32 $0x200;
	s17 =	simm.s32 $0x0  }
.LBB2_4:
0x15: {  	p0 =	sne.s32 s16, $0x27E00;
	[tilespmem:s17+$0x6800] =	vst v2;
	s17 =	smov.u32 s16;
	s16 =	sadd.s32 $0x200, s16  }
.Ltmp1:
0x16: {  	(pc) =	sbr.rel @p0 .LBB2_4-.Ltmp1, $2  }
0x17: {  	_ =	sdelay $0x2  }
0x18: {  	s17 =	sshra.s32 s17, $0x2  }
0x19: {  	[tilespmem:s17+$0x6800] =	vst v2  }
0x1a: {  	[spmem:s4] =	stream.linear.scatter [tilespmem:s8], [sflag:$0x2], $0xA000, $0x38;
	[tilespmem:$0x11C00] =	vst v63  }
0x1b: {  	_ =	swait.ge [sflag:s9], $0xA000  }
0x1c: {  	[sflag:s9] =	ssyncset.done $0x0  }
0x1d: {  	[sflag:s9] =	ssyncadd.s32 $0xFFFF6000  }
0x1e: {  	[bflag:$0x0] =	sbarrier.arrive $0xFFFF  }
0x1f: {  	[tilespmem:s3], [sflag:$0x2] =	stream.linear.gather [hbm4b:s5+s3], $0x2800, $0x38;
	[tilespmem:$0x11C00] =	vst v63  }
0x20: {  	_ =	swait.ge [sflag:s9], $0x2800  }
0x21: {  	[sflag:s9] =	ssyncset.done $0x0  }
0x22: {  	s17 =	simm.s32 $0x70;
	[sflag:s9] =	ssyncadd.s32 $0xFFFFD800  }
0x23: {  	v3 =	vld [tilespmem:s17+$0xFFFFFF90];
	_ =	sdelay $0x1  }
0x24: {  	v4 =	vld [tilespmem:s17+$0xFFFFFFA0]  }
0x25: {  	v5 =	vld [tilespmem:s17+$0xFFFFFFB0];
	_ =	sdelay $0x1  }
0x26: {  	v6 =	vld [tilespmem:s17+$0xFFFFFFC0];
	v3 =	vadd.s32 v0, v3  }
0x27: {  	v7 =	vld [tilespmem:s17+$0xFFFFFFD0];
	vm0 =	vlt.u32 v3, $0x1388  }
0x28: {  	v8 =	vld [tilespmem:s17+$0xFFFFFFE0];
	v4 =	vadd.s32 v0, v4;
	v3 =	vnsel vm0, $0x13FF, v3  }
0x29: {  	v9 =	vld [tilespmem:s17+$0x0];
	vm10 =	vlt.u32 v4, $0x1388;
	[tilespmem:s17+$0xFFFFFF90] =	vst v3;
	v3 =	vadd.s32 v0, v5  }
0x2a: {  	s16 =	simm.s32 $0xF0;
	v10 =	vld [tilespmem:s17+$0xFFFFFFF0];
	v4 =	vnsel vm10, $0x13FF, v4;
	vm11 =	vlt.u32 v3, $0x1388  }
0x2b: {  	v5 =	vadd.s32 v0, v6;
	v11 =	vld [tilespmem:s16+$0xFFFFFF90];
	[tilespmem:s17+$0xFFFFFFA0] =	vst v4;
	v3 =	vnsel vm11, $0x13FF, v3  }
0x2c: {  	vm12 =	vlt.u32 v5, $0x1388;
	v4 =	vld [tilespmem:s16+$0xFFFFFFA0];
	[tilespmem:s17+$0xFFFFFFB0] =	vst v3;
	v3 =	vadd.s32 v0, v7  }
0x2d: {  	v6 =	vnsel vm12, $0x13FF, v5;
	vm13 =	vlt.u32 v3, $0x1388  }
0x2e: {  	v5 =	vld [tilespmem:s16+$0xFFFFFFB0];
	[tilespmem:s17+$0xFFFFFFC0] =	vst v6;
	v6 =	vadd.s32 v0, v8;
	v7 =	vnsel vm13, $0x13FF, v3  }
0x2f: {  	v3 =	vld [tilespmem:s16+$0xFFFFFFC0];
	vm14 =	vlt.u32 v6, $0x1388;
	[tilespmem:s17+$0xFFFFFFD0] =	vst v7;
	v7 =	vadd.s32 v0, v9  }
0x30: {  	v8 =	vnsel vm14, $0x13FF, v6;
	v9 =	vadd.s32 v0, v10;
	vm15 =	vlt.u32 v7, $0x1388  }
0x31: {  	v6 =	vld [tilespmem:s16+$0xFFFFFFD0];
	[tilespmem:s17+$0xFFFFFFE0] =	vst v8;
	vm1 =	vlt.u32 v9, $0x1388;
	v10 =	vnsel vm15, $0x13FF, v7  }
0x32: {  	s18 =	simm.s32 $0x5C0;
	v8 =	vadd.s32 v0, v11;
	v7 =	vld [tilespmem:s16+$0xFFFFFFE0];
	v9 =	vnsel vm1, $0x13FF, v9;
	[tilespmem:s17+$0x0] =	vst v10  }
.LBB2_6:
0x33: {  	p0 =	sne.s32 s18, $0x9FC0;
	vm0 =	vlt.u32 v8, $0x1388;
	v4 =	vadd.s32 v0, v4;
	v10 =	vld [tilespmem:s16+$0x0];
	[tilespmem:s17+$0xFFFFFFF0] =	vst v9;
	s17 =	smov.u32 s16  }
0x34: {  	v8 =	vnsel vm0, $0x13FF, v8;
	vm0 =	vlt.u32 v4, $0x1388;
	v5 =	vadd.s32 v0, v5;
	v9 =	vld [tilespmem:s17+$0xFFFFFFF0]  }
0x35: {  	s16 =	sshra.s32 s18, $0x2;
	[tilespmem:s17+$0xFFFFFF90] =	vst v8;
	v4 =	vnsel vm0, $0x13FF, v4;
	vm0 =	vlt.u32 v5, $0x1388;
	v3 =	vadd.s32 v0, v3  }
0x36: {  	v8 =	vld [tilespmem:s16+$0xFFFFFF90];
	[tilespmem:s17+$0xFFFFFFA0] =	vst v4;
	v5 =	vnsel vm0, $0x13FF, v5;
	vm0 =	vlt.u32 v3, $0x1388;
	v6 =	vadd.s32 v0, v6  }
.Ltmp2:
0x37: {  	v4 =	vld [tilespmem:s16+$0xFFFFFFA0];
	[tilespmem:s17+$0xFFFFFFB0] =	vst v5;
	v3 =	vnsel vm0, $0x13FF, v3;
	vm0 =	vlt.u32 v6, $0x1388;
	v7 =	vadd.s32 v0, v7;
	(pc) =	sbr.rel @p0 .LBB2_6-.Ltmp2, $4  }
0x38: {  	v5 =	vld [tilespmem:s16+$0xFFFFFFB0];
	[tilespmem:s17+$0xFFFFFFC0] =	vst v3;
	v6 =	vnsel vm0, $0x13FF, v6;
	vm0 =	vlt.u32 v7, $0x1388;
	v10 =	vadd.s32 v0, v10  }
0x39: {  	v3 =	vld [tilespmem:s16+$0xFFFFFFC0];
	[tilespmem:s17+$0xFFFFFFD0] =	vst v6;
	v7 =	vnsel vm0, $0x13FF, v7;
	v9 =	vadd.s32 v0, v9;
	vm0 =	vlt.u32 v10, $0x1388  }
0x3a: {  	v6 =	vld [tilespmem:s16+$0xFFFFFFD0];
	[tilespmem:s17+$0xFFFFFFE0] =	vst v7;
	vm1 =	vlt.u32 v9, $0x1388;
	v10 =	vnsel vm0, $0x13FF, v10  }
0x3b: {  	s18 =	sadd.s32 $0x200, s18;
	v8 =	vadd.s32 v0, v8;
	v7 =	vld [tilespmem:s16+$0xFFFFFFE0];
	v9 =	vnsel vm1, $0x13FF, v9;
	[tilespmem:s17+$0x0] =	vst v10  }
0x3c: {  	v10 =	vld [tilespmem:s16+$0x0];
	vm0 =	vlt.u32 v8, $0x1388;
	v4 =	vadd.s32 v0, v4;
	[tilespmem:s17+$0xFFFFFFF0] =	vst v9  }
0x3d: {  	v8 =	vnsel vm0, $0x13FF, v8;
	vm10 =	vlt.u32 v4, $0x1388;
	v5 =	vadd.s32 v0, v5;
	v9 =	vld [tilespmem:s16+$0xFFFFFFF0]  }
0x3e: {  	[tilespmem:s16+$0xFFFFFF90] =	vst v8;
	v4 =	vnsel vm10, $0x13FF, v4;
	vm11 =	vlt.u32 v5, $0x1388;
	v3 =	vadd.s32 v0, v3  }
0x3f: {  	[tilespmem:s16+$0xFFFFFFA0] =	vst v4;
	v59 =	vnsel vm11, $0x13FF, v5;
	vm12 =	vlt.u32 v3, $0x1388;
	v60 =	vadd.s32 v0, v6  }
0x40: {  	[tilespmem:s16+$0xFFFFFFB0] =	vst v59;
	v3 =	vnsel vm12, $0x13FF, v3;
	vm13 =	vlt.u32 v60, $0x1388;
	v61 =	vadd.s32 v0, v7  }
0x41: {  	[tilespmem:s16+$0xFFFFFFC0] =	vst v3;
	v3 =	vnsel vm13, $0x13FF, v60;
	vm14 =	vlt.u32 v61, $0x1388;
	v62 =	vadd.s32 v0, v10  }
0x42: {  	[tilespmem:s16+$0xFFFFFFD0] =	vst v3;
	v3 =	vnsel vm14, $0x13FF, v61;
	v63 =	vadd.s32 v0, v9;
	vm15 =	vlt.u32 v62, $0x1388  }
0x43: {  	[tilespmem:s16+$0xFFFFFFE0] =	vst v3;
	vm1 =	vlt.u32 v63, $0x1388;
	v3 =	vnsel vm15, $0x13FF, v62  }
0x44: {  	v4 =	vnsel vm1, $0x13FF, v63;
	[tilespmem:s16+$0x0] =	vst v3  }
0x45: {  	[tilespmem:s16+$0xFFFFFFF0] =	vst v4;
	s16 =	simm.s32 $0x0  }
.LBB2_8:
0x46: {  	p0 =	sne.s32 s16, $0x9E00  }
.Ltmp3:
0x47: {  	_ = 	snop;
	(pc) =	sbr.rel @p0 .LBB2_8-.Ltmp3, $3  }
0x48: {  	_ =	sdelay $0x1  }
0x49: {  	s17 =	sshra.s32 s16, $0x2;
	s16 =	sadd.s32 $0x200, s16  }
0x4a: {  	[spmem:s2] =	stream.indirect.scatter.add.f32 [tilespmem:s11], [sflag:$0x1], $0x10, s17, s10, $0xb8;
	[tilespmem:$0x11C00] =	vst v63  }
0x4b: {  	_ =	swait.ge [sflag:s12], $0x800  }
0x4c: {  	s16 =	simm.s32 $0x4F;
	[sflag:s12] =	ssyncset.done $0x0  }
.LBB2_10:
0x4d: {  	p0 =	sne.s32 s16, $0x1;
	s16 =	sadd.s32 $0xFFFFFFFF, s16;
	[sflag:s12] =	ssyncadd.s32 $0xFFFFF800  }
.Ltmp4:
0x4e: {  	(pc) =	sbr.rel @p0 .LBB2_10-.Ltmp4, $3  }
0x4f: {  	_ =	sdelay $0x1  }
0x50: {  	_ =	swait.ge [sflag:s12], $0x800  }
0x51: {  	[sflag:s12] =	ssyncset.done $0x0  }
0x52: {  	s15 =	sadd.s32 $0x1, s15  }
0x53: {  	[sflag:s12] =	ssyncadd.s32 $0xFFFFF800;
	p0 =	sne.s32 s15, s7  }
.Ltmp5:
0x54: {  	[bflag:$0x0] =	sbarrier.arrive $0xFFFF;
	(pc) =	sbr.rel @p0 .LBB2_1-.Ltmp5, $4  }
0x55: {  	[hbm:s6], [sflag:s13] =	dma.local [spmem:s14], $0x1400  }
0x56: {  	_ =	swait.ge [sflag:s9], $0x1400  }
0x57: {  	[sflag:s9] =	ssyncset.done $0x0  }
0x58: {  	[sflag:s9] =	ssyncadd.s32 $0xFFFFEC00  }
0x59: {  	_ =	sfence.sel $0x180000  }
0x5a: {  	[bflag:$0x0] =	sbarrier.arrive $0xFFFF  }
0x5b: {  	p0 =	sne.s32 s1, $0x0;
	_ =	strace $0x90000047  }
0x5c: {  	s0 =	sadd.s32 @!p0 $0x100000, s0;
	[bflag:$0x2] =	sbarrier.arrive $0xFFFF  }
0x5d: {  	[sflag:s0] =	ssyncadd.tile.s32 @!p0 $0x1;
	_ =	shalt  }
.Lfunc_end2:
_tile_overlayer_lowered:
.L_overlay_start_2:
0x5e: {  	(tag) =	ssettag $0x2  }
0x5f: {  	s0 =	rddreg [dreg:$0x0];
	s2 =	stileid.u32  }
0x60: {  	s1 =	rddreg [dreg:$0x1];
	p0 =	sne.s32 s2, $0x0  }
0x61: {  	s3 =	rddreg [dreg:$0x2];
	[bflag:$0x3] =	sbarrier.arrive $0xFFFF;
	s2 =	simm.s32 @!p0 $0x1C02  }
0x62: {  	[timem:s3], [sflag:s2] =	dma.local @!p0 [hbm:s0], s1  }
0x63: {  	s0 =	simm.s32 @!p0 $0x2  }
0x64: {  	_ =	swait.ge @!p0 [sflag:s0], s1  }
0x65: {  	s1 =	ssub.s32 @!p0 $0x0, s1;
	[sflag:s0] =	ssyncset.done @!p0 $0x0  }
0x66: {  	[sflag:s0] =	ssyncadd.s32 @!p0 s1  }
0x67: {  	[bflag:$0x3] =	sbarrier.arrive $0xFFFF  }
0x68: {  	_ =	shalt  }

</sc_bundles>
